<compile_context>
chip_gen: v7x
topology: tpu7x:2x2x1
jax: 0.10.2.dev20260603
libtpu: 0.0.44.dev20260713+nightly
codegen_flags: <defaults>
</compile_context>

<pallas_src>
import functools

import jax
import jax.numpy as jnp
from jax import lax
from jax.experimental import pallas as pl
from jax.experimental.pallas import tpu as pltpu
from jax.experimental.pallas import tpu_sc as plsc

_N = 10000
_E = 320000
_D = 128
_NC, _NS = 2, 16
_NW = _NC * _NS
_NCHUNK = _E // 128
_CPW = _NCHUNK // _NW
_XTRA = _NCHUNK - _CPW * _NW
_HP = 10240

@functools.cache
def _make_sc_hist():
    mesh = plsc.VectorSubcoreMesh(
        core_axis_name="c", subcore_axis_name="s", num_cores=_NC, num_subcores=_NS
    )
    return functools.partial(
        pl.kernel,
        out_type=jax.ShapeDtypeStruct((_NC, _HP), jnp.float32),
        mesh=mesh,
        scratch_types=[
            pltpu.VMEM((_CPW * 128,), jnp.int32),
            pltpu.VMEM((128,), jnp.int32),
            pltpu.VMEM((_CPW * 128,), jnp.float32),
            pltpu.VMEM((640,), jnp.float32),
            pltpu.VMEM_SHARED((_HP,), jnp.float32),
            pltpu.SemaphoreType.DMA,
        ],
    )(_sc_hist_body)


def _sc_hist_body(idx_hbm, out_hbm, idx_v, idxx_v, ones_v, zeros_v, hist_sh, sem1):
    cid = lax.axis_index("c")
    sid = lax.axis_index("s")
    wid = sid * _NC + cid
    base = (_CPW * wid + lax.min(wid, _XTRA)) * 128

    cp_idx = pltpu.async_copy(idx_hbm.at[0, pl.ds(base, _CPW * 128)], idx_v, sem1)

    def fill(j, carry):
        for k in range(8):
            ones_v[pl.ds(j * 128 + k * 16, 16)] = jnp.full((16,), 1.0, jnp.float32)
        return carry

    lax.fori_loop(0, _CPW, fill, 0)
    for k in range(40):
        zeros_v[pl.ds(k * 16, 16)] = jnp.zeros((16,), jnp.float32)

    pltpu.sync_copy(zeros_v, hist_sh.at[pl.ds(sid * 640, 640)])

    @pl.when(wid < _XTRA)
    def _():
        pltpu.sync_copy(idx_hbm.at[0, pl.ds(base + _CPW * 128, 128)], idxx_v)

    cp_idx.wait()
    plsc.subcore_barrier()

    pltpu.sync_copy(ones_v, hist_sh.at[idx_v], add=True)

    @pl.when(wid < _XTRA)
    def _():
        pltpu.sync_copy(ones_v.at[pl.ds(0, 128)], hist_sh.at[idxx_v], add=True)

    plsc.subcore_barrier()

    @pl.when(sid == 0)
    def _():
        pltpu.sync_copy(hist_sh, out_hbm.at[cid])


_BLK = 5120


def _tc_fused_body(x_ref, w_ref, b_ref, p_ref, z_ref):
    y = lax.dot_general(
        x_ref[...], w_ref[...],
        (((1,), (1,)), ((), ())),
        preferred_element_type=jnp.float32,
    ) + b_ref[...]
    deg = p_ref[0, :] + p_ref[1, :]
    z_ref[...] = y * deg[:, None]


def _tc_fused(x, w, b, partial, interpret=False):
    return pl.pallas_call(
        _tc_fused_body,
        grid=(pl.cdiv(_N, _BLK),),
        in_specs=[
            pl.BlockSpec((_BLK, _D), lambda i: (i, 0)),
            pl.BlockSpec((_D, _D), lambda i: (0, 0)),
            pl.BlockSpec((1, _D), lambda i: (0, 0)),
            pl.BlockSpec((_NC, _BLK), lambda i: (0, i)),
        ],
        out_specs=pl.BlockSpec((_BLK, _D), lambda i: (i, 0)),
        out_shape=jax.ShapeDtypeStruct((_N, _D), jnp.float32),
        interpret=interpret,
    )(x, w, b, partial)


def kernel(node_features, edge_node_indices, edge_features, W_fn, b_fn, W_fe, b_fe, W_fa, b_fa):
    partial = _make_sc_hist()(edge_node_indices.astype(jnp.int32))
    return _tc_fused(node_features, W_fn, b_fn.reshape(1, _D), partial)

# --- scband reference (transcript-rebuilt; emitter-appended) ---
"""Pipeline reference for scband-simple-gi-message-layer-62130996904489 (READ-ONLY COPY).

The authoritative reference and input builder live on the scoring server;
editing this copy changes nothing except your own understanding.
"""

import jax, jax.numpy as jnp
import numpy as np

N_NODES = 10000
N_EDGES = 320000
D_NODE = 128
D_EDGE = 16
D_OUT = 128


def setup_inputs(seed: int = 0) -> dict:
    key = jax.random.key(seed)
    k1, k2, k3, k4, k5, k6, k7, k8, k9 = jax.random.split(key, 9)
    node_features = jax.random.normal(k1, (N_NODES, D_NODE), dtype=jnp.float32)
    edge_node_indices = jax.random.randint(k2, (2, N_EDGES), 0, N_NODES, dtype=jnp.int64)
    edge_features = jax.random.normal(k3, (N_EDGES, D_EDGE), dtype=jnp.float32)
    # Linear params (torch Linear: y = x @ W.T + b); uniform(size, w) init in original,
    # here we emulate with uniform scaled by 1/sqrt(fan_in).
    def unif(k, shape, fan_in):
        bound = 1.0 / np.sqrt(fan_in)
        return jax.random.uniform(k, shape, dtype=jnp.float32, minval=-bound, maxval=bound)
    W_fn = unif(k4, (D_OUT, D_NODE), D_NODE)
    b_fn = unif(k5, (D_OUT,), D_NODE)
    W_fe = unif(k6, (D_EDGE, D_EDGE), D_EDGE)
    b_fe = unif(k7, (D_EDGE,), D_EDGE)
    att_in_size = 2 * D_OUT + D_EDGE
    W_fa = unif(k8, (1, att_in_size), att_in_size)
    b_fa = unif(k9, (1,), att_in_size)
    return {
        "node_features": node_features,
        "edge_node_indices": edge_node_indices,
        "edge_features": edge_features,
        "W_fn": W_fn, "b_fn": b_fn,
        "W_fe": W_fe, "b_fe": b_fe,
        "W_fa": W_fa, "b_fa": b_fa,
    }


def reference(node_features, edge_node_indices, edge_features, W_fn, b_fn, W_fe, b_fe, W_fa, b_fa):
    node0_indices = edge_node_indices[0]
    node1_indices = edge_node_indices[1]
    count_nodes = node_features.shape[0]
    if edge_features.ndim == 1:
        edge_features = edge_features[:, None]
    # gather + linear on both endpoints
    node0_output = node_features[node0_indices] @ W_fn.T + b_fn
    node1_output = node_features[node1_indices] @ W_fn.T + b_fn
    edge_output = edge_features @ W_fe.T + b_fe
    attention_input = jnp.concatenate([node0_output, node1_output, edge_output], axis=1)
    attention_output = attention_input @ W_fa.T + b_fa  # [E, 1]
    # faithful to original: softmax over dim=1 of an [E, 1] tensor (degenerate -> ones)
    attention = jax.nn.softmax(jax.nn.leaky_relu(attention_output, negative_slope=0.01), axis=1)
    attenuated_node_output = attention * node0_output
    z = jax.ops.segment_sum(attenuated_node_output, node0_indices, num_segments=count_nodes)
    return z

if __name__ == "__main__":
    import jax
    _d = setup_inputs()
    print(jax.jit(kernel)(*tuple(_d.values())))

</pallas_src>

<mosaic_0001>
#map = affine_map<(d0, d1) -> (0, 0)>
module attributes {stable_mosaic.version = 14 : i64} {
  func.func @_sc_hist_body(%arg0: i32, %arg1: i32, %arg2: memref<2x320000xi32, #tpu.memory_space<hbm>>, %arg3: memref<2x10240xf32, #tpu.memory_space<hbm>>, %arg4: memref<9984xi32, #tpu.memory_space<vmem>>, %arg5: memref<128xi32, #tpu.memory_space<vmem>>, %arg6: memref<9984xf32, #tpu.memory_space<vmem>>, %arg7: memref<640xf32, #tpu.memory_space<vmem>>, %arg8: memref<10240xf32, #tpu.memory_space<vmem_shared>>, %arg9: memref<!tpu.dma_semaphore, #tpu.memory_space<semaphore_mem>>) attributes {dimension_semantics = [#tpu.dimension_semantics<core_parallel>, #tpu.dimension_semantics<subcore_parallel>], iteration_bounds = array<i64: 2, 16>, scalar_prefetch = 0 : i64, scratch_operands = 6 : i64, tpu.core_type = #tpu.core_type<sc_vector_subcore>, window_params = [{transform_indices = #map}, {transform_indices = #map}]} {
    %mul3A = arith.constant 2 : i32
    %mul3A_0 = arith.muli %arg1, %mul3A : i32
    %add3A = arith.addi %mul3A_0, %arg0 : i32
    %mul3A_1 = arith.constant 78 : i32
    %mul3A_2 = arith.muli %mul3A_1, %add3A : i32
    %min3A = arith.constant 4 : i32
    %min3A_3 = arith.minsi %add3A, %min3A : i32
    %add3A_4 = arith.addi %mul3A_2, %min3A_3 : i32
    %mul3A_5 = arith.constant 128 : i32
    %mul3A_6 = arith.muli %add3A_4, %mul3A_5 : i32
    %dma_start3A = arith.constant 0 : i32
    %dma_start3A_7 = tpu.memref_slice %arg2[%dma_start3A, %mul3A_6] : memref<2x320000xi32, #tpu.memory_space<hbm>> -> memref<1x9984xi32, #tpu.memory_space<hbm>>
    %dma_start3A_8 = tpu.memref_squeeze %dma_start3A_7 : memref<1x9984xi32, #tpu.memory_space<hbm>> -> memref<9984xi32, #tpu.memory_space<hbm>>
    %dma_start3A_9 = tpu.memref_slice %arg2[%dma_start3A, %mul3A_6] : memref<2x320000xi32, #tpu.memory_space<hbm>> -> memref<1x9984xi32, #tpu.memory_space<hbm>>
    %dma_start3A_10 = tpu.memref_squeeze %dma_start3A_9 : memref<1x9984xi32, #tpu.memory_space<hbm>> -> memref<9984xi32, #tpu.memory_space<hbm>>
    tpu.enqueue_dma source(%dma_start3A_10 : memref<9984xi32, #tpu.memory_space<hbm>>) target(%arg4 : memref<9984xi32, #tpu.memory_space<vmem>>) target_semaphore(%arg9 : memref<!tpu.dma_semaphore, #tpu.memory_space<semaphore_mem>>)
    %scan3A = arith.constant 0 : i32
    %scan3A_11 = arith.constant 0 : i32
    %scan3A_12 = arith.constant 78 : i32
    %scan3A_13 = arith.addi %scan3A_11, %scan3A_12 : i32
    %scan3A_14 = arith.constant 1 : i32
    scf.for %scan3A_272 = %scan3A_11 to %scan3A_13 step %scan3A_14  : i32 {
      %broadcast_in_dim3A_273 = arith.constant 1.000000e+00 : f32
      %broadcast_in_dim3A_274 = vector.broadcast %broadcast_in_dim3A_273 : f32 to vector<16xf32>
      %mul3A_275 = arith.constant 128 : i32
      %mul3A_276 = arith.muli %scan3A_272, %mul3A_275 : i32
      %add3A_277 = arith.constant 0 : i32
      %add3A_278 = arith.addi %mul3A_276, %add3A_277 : i32
      %swap3A_279 = arith.index_cast %add3A_278 : i32 to index
      %swap3A_280 = tpu.vector_load %arg6[%swap3A_279] {strides = array<i32>} : memref<9984xf32, #tpu.memory_space<vmem>>, vector<16xf32>,
      %swap3A_281 = vector.shape_cast %swap3A_280 : vector<16xf32> to vector<16xf32>
      %swap3A_282 = vector.shape_cast %broadcast_in_dim3A_274 : vector<16xf32> to vector<16xf32>
      tpu.vector_store %arg6[%swap3A_279], %swap3A_282 {strides = array<i32>} : memref<9984xf32, #tpu.memory_space<vmem>>, vector<16xf32>,
      %broadcast_in_dim3A_283 = arith.constant 1.000000e+00 : f32
      %broadcast_in_dim3A_284 = vector.broadcast %broadcast_in_dim3A_283 : f32 to vector<16xf32>
      %mul3A_285 = arith.constant 128 : i32
      %mul3A_286 = arith.muli %scan3A_272, %mul3A_285 : i32
      %add3A_287 = arith.constant 16 : i32
      %add3A_288 = arith.addi %mul3A_286, %add3A_287 : i32
      %swap3A_289 = arith.index_cast %add3A_288 : i32 to index
      %swap3A_290 = tpu.vector_load %arg6[%swap3A_289] {strides = array<i32>} : memref<9984xf32, #tpu.memory_space<vmem>>, vector<16xf32>,
      %swap3A_291 = vector.shape_cast %swap3A_290 : vector<16xf32> to vector<16xf32>
      %swap3A_292 = vector.shape_cast %broadcast_in_dim3A_284 : vector<16xf32> to vector<16xf32>
      tpu.vector_store %arg6[%swap3A_289], %swap3A_292 {strides = array<i32>} : memref<9984xf32, #tpu.memory_space<vmem>>, vector<16xf32>,
      %broadcast_in_dim3A_293 = arith.constant 1.000000e+00 : f32
      %broadcast_in_dim3A_294 = vector.broadcast %broadcast_in_dim3A_293 : f32 to vector<16xf32>
      %mul3A_295 = arith.constant 128 : i32
      %mul3A_296 = arith.muli %scan3A_272, %mul3A_295 : i32
      %add3A_297 = arith.constant 32 : i32
      %add3A_298 = arith.addi %mul3A_296, %add3A_297 : i32
      %swap3A_299 = arith.index_cast %add3A_298 : i32 to index
      %swap3A_300 = tpu.vector_load %arg6[%swap3A_299] {strides = array<i32>} : memref<9984xf32, #tpu.memory_space<vmem>>, vector<16xf32>,
      %swap3A_301 = vector.shape_cast %swap3A_300 : vector<16xf32> to vector<16xf32>
      %swap3A_302 = vector.shape_cast %broadcast_in_dim3A_294 : vector<16xf32> to vector<16xf32>
      tpu.vector_store %arg6[%swap3A_299], %swap3A_302 {strides = array<i32>} : memref<9984xf32, #tpu.memory_space<vmem>>, vector<16xf32>,
      %broadcast_in_dim3A_303 = arith.constant 1.000000e+00 : f32
      %broadcast_in_dim3A_304 = vector.broadcast %broadcast_in_dim3A_303 : f32 to vector<16xf32>
      %mul3A_305 = arith.constant 128 : i32
      %mul3A_306 = arith.muli %scan3A_272, %mul3A_305 : i32
      %add3A_307 = arith.constant 48 : i32
      %add3A_308 = arith.addi %mul3A_306, %add3A_307 : i32
      %swap3A_309 = arith.index_cast %add3A_308 : i32 to index
      %swap3A_310 = tpu.vector_load %arg6[%swap3A_309] {strides = array<i32>} : memref<9984xf32, #tpu.memory_space<vmem>>, vector<16xf32>,
      %swap3A_311 = vector.shape_cast %swap3A_310 : vector<16xf32> to vector<16xf32>
      %swap3A_312 = vector.shape_cast %broadcast_in_dim3A_304 : vector<16xf32> to vector<16xf32>
      tpu.vector_store %arg6[%swap3A_309], %swap3A_312 {strides = array<i32>} : memref<9984xf32, #tpu.memory_space<vmem>>, vector<16xf32>,
      %broadcast_in_dim3A_313 = arith.constant 1.000000e+00 : f32
      %broadcast_in_dim3A_314 = vector.broadcast %broadcast_in_dim3A_313 : f32 to vector<16xf32>
      %mul3A_315 = arith.constant 128 : i32
      %mul3A_316 = arith.muli %scan3A_272, %mul3A_315 : i32
      %add3A_317 = arith.constant 64 : i32
      %add3A_318 = arith.addi %mul3A_316, %add3A_317 : i32
      %swap3A_319 = arith.index_cast %add3A_318 : i32 to index
      %swap3A_320 = tpu.vector_load %arg6[%swap3A_319] {strides = array<i32>} : memref<9984xf32, #tpu.memory_space<vmem>>, vector<16xf32>,
      %swap3A_321 = vector.shape_cast %swap3A_320 : vector<16xf32> to vector<16xf32>
      %swap3A_322 = vector.shape_cast %broadcast_in_dim3A_314 : vector<16xf32> to vector<16xf32>
      tpu.vector_store %arg6[%swap3A_319], %swap3A_322 {strides = array<i32>} : memref<9984xf32, #tpu.memory_space<vmem>>, vector<16xf32>,
      %broadcast_in_dim3A_323 = arith.constant 1.000000e+00 : f32
      %broadcast_in_dim3A_324 = vector.broadcast %broadcast_in_dim3A_323 : f32 to vector<16xf32>
      %mul3A_325 = arith.constant 128 : i32
      %mul3A_326 = arith.muli %scan3A_272, %mul3A_325 : i32
      %add3A_327 = arith.constant 80 : i32
      %add3A_328 = arith.addi %mul3A_326, %add3A_327 : i32
      %swap3A_329 = arith.index_cast %add3A_328 : i32 to index
      %swap3A_330 = tpu.vector_load %arg6[%swap3A_329] {strides = array<i32>} : memref<9984xf32, #tpu.memory_space<vmem>>, vector<16xf32>,
      %swap3A_331 = vector.shape_cast %swap3A_330 : vector<16xf32> to vector<16xf32>
      %swap3A_332 = vector.shape_cast %broadcast_in_dim3A_324 : vector<16xf32> to vector<16xf32>
      tpu.vector_store %arg6[%swap3A_329], %swap3A_332 {strides = array<i32>} : memref<9984xf32, #tpu.memory_space<vmem>>, vector<16xf32>,
      %broadcast_in_dim3A_333 = arith.constant 1.000000e+00 : f32
      %broadcast_in_dim3A_334 = vector.broadcast %broadcast_in_dim3A_333 : f32 to vector<16xf32>
      %mul3A_335 = arith.constant 128 : i32
      %mul3A_336 = arith.muli %scan3A_272, %mul3A_335 : i32
      %add3A_337 = arith.constant 96 : i32
      %add3A_338 = arith.addi %mul3A_336, %add3A_337 : i32
      %swap3A_339 = arith.index_cast %add3A_338 : i32 to index
      %swap3A_340 = tpu.vector_load %arg6[%swap3A_339] {strides = array<i32>} : memref<9984xf32, #tpu.memory_space<vmem>>, vector<16xf32>,
      %swap3A_341 = vector.shape_cast %swap3A_340 : vector<16xf32> to vector<16xf32>
      %swap3A_342 = vector.shape_cast %broadcast_in_dim3A_334 : vector<16xf32> to vector<16xf32>
      tpu.vector_store %arg6[%swap3A_339], %swap3A_342 {strides = array<i32>} : memref<9984xf32, #tpu.memory_space<vmem>>, vector<16xf32>,
      %broadcast_in_dim3A_343 = arith.constant 1.000000e+00 : f32
      %broadcast_in_dim3A_344 = vector.broadcast %broadcast_in_dim3A_343 : f32 to vector<16xf32>
      %mul3A_345 = arith.constant 128 : i32
      %mul3A_346 = arith.muli %scan3A_272, %mul3A_345 : i32
      %add3A_347 = arith.constant 112 : i32
      %add3A_348 = arith.addi %mul3A_346, %add3A_347 : i32
      %swap3A_349 = arith.index_cast %add3A_348 : i32 to index
      %swap3A_350 = tpu.vector_load %arg6[%swap3A_349] {strides = array<i32>} : memref<9984xf32, #tpu.memory_space<vmem>>, vector<16xf32>,
      %swap3A_351 = vector.shape_cast %swap3A_350 : vector<16xf32> to vector<16xf32>
      %swap3A_352 = vector.shape_cast %broadcast_in_dim3A_344 : vector<16xf32> to vector<16xf32>
      tpu.vector_store %arg6[%swap3A_349], %swap3A_352 {strides = array<i32>} : memref<9984xf32, #tpu.memory_space<vmem>>, vector<16xf32>,
    }
    %scan3A_15 = arith.constant 78 : i32
    %broadcast_in_dim3A = arith.constant 0.000000e+00 : f32
    %broadcast_in_dim3A_16 = vector.broadcast %broadcast_in_dim3A : f32 to vector<16xf32>
    %swap3A = arith.constant 0 : index
    %swap3A_17 = tpu.vector_load %arg7[%swap3A] {strides = array<i32>} : memref<640xf32, #tpu.memory_space<vmem>>, vector<16xf32>,
    %swap3A_18 = vector.shape_cast %swap3A_17 : vector<16xf32> to vector<16xf32>
    %swap3A_19 = vector.shape_cast %broadcast_in_dim3A_16 : vector<16xf32> to vector<16xf32>
    tpu.vector_store %arg7[%swap3A], %swap3A_19 {strides = array<i32>} : memref<640xf32, #tpu.memory_space<vmem>>, vector<16xf32>,
    %broadcast_in_dim3A_20 = arith.constant 0.000000e+00 : f32
    %broadcast_in_dim3A_21 = vector.broadcast %broadcast_in_dim3A_20 : f32 to vector<16xf32>
    %swap3A_22 = arith.constant 16 : index
    %swap3A_23 = tpu.vector_load %arg7[%swap3A_22] {strides = array<i32>} : memref<640xf32, #tpu.memory_space<vmem>>, vector<16xf32>,
    %swap3A_24 = vector.shape_cast %swap3A_23 : vector<16xf32> to vector<16xf32>
    %swap3A_25 = vector.shape_cast %broadcast_in_dim3A_21 : vector<16xf32> to vector<16xf32>
    tpu.vector_store %arg7[%swap3A_22], %swap3A_25 {strides = array<i32>} : memref<640xf32, #tpu.memory_space<vmem>>, vector<16xf32>,
    %broadcast_in_dim3A_26 = arith.constant 0.000000e+00 : f32
    %broadcast_in_dim3A_27 = vector.broadcast %broadcast_in_dim3A_26 : f32 to vector<16xf32>
    %swap3A_28 = arith.constant 32 : index
    %swap3A_29 = tpu.vector_load %arg7[%swap3A_28] {strides = array<i32>} : memref<640xf32, #tpu.memory_space<vmem>>, vector<16xf32>,
    %swap3A_30 = vector.shape_cast %swap3A_29 : vector<16xf32> to vector<16xf32>
    %swap3A_31 = vector.shape_cast %broadcast_in_dim3A_27 : vector<16xf32> to vector<16xf32>
    tpu.vector_store %arg7[%swap3A_28], %swap3A_31 {strides = array<i32>} : memref<640xf32, #tpu.memory_space<vmem>>, vector<16xf32>,
    %broadcast_in_dim3A_32 = arith.constant 0.000000e+00 : f32
    %broadcast_in_dim3A_33 = vector.broadcast %broadcast_in_dim3A_32 : f32 to vector<16xf32>
    %swap3A_34 = arith.constant 48 : index
    %swap3A_35 = tpu.vector_load %arg7[%swap3A_34] {strides = array<i32>} : memref<640xf32, #tpu.memory_space<vmem>>, vector<16xf32>,
    %swap3A_36 = vector.shape_cast %swap3A_35 : vector<16xf32> to vector<16xf32>
    %swap3A_37 = vector.shape_cast %broadcast_in_dim3A_33 : vector<16xf32> to vector<16xf32>
    tpu.vector_store %arg7[%swap3A_34], %swap3A_37 {strides = array<i32>} : memref<640xf32, #tpu.memory_space<vmem>>, vector<16xf32>,
    %broadcast_in_dim3A_38 = arith.constant 0.000000e+00 : f32
    %broadcast_in_dim3A_39 = vector.broadcast %broadcast_in_dim3A_38 : f32 to vector<16xf32>
    %swap3A_40 = arith.constant 64 : index
    %swap3A_41 = tpu.vector_load %arg7[%swap3A_40] {strides = array<i32>} : memref<640xf32, #tpu.memory_space<vmem>>, vector<16xf32>,
    %swap3A_42 = vector.shape_cast %swap3A_41 : vector<16xf32> to vector<16xf32>
    %swap3A_43 = vector.shape_cast %broadcast_in_dim3A_39 : vector<16xf32> to vector<16xf32>
    tpu.vector_store %arg7[%swap3A_40], %swap3A_43 {strides = array<i32>} : memref<640xf32, #tpu.memory_space<vmem>>, vector<16xf32>,
    %broadcast_in_dim3A_44 = arith.constant 0.000000e+00 : f32
    %broadcast_in_dim3A_45 = vector.broadcast %broadcast_in_dim3A_44 : f32 to vector<16xf32>
    %swap3A_46 = arith.constant 80 : index
    %swap3A_47 = tpu.vector_load %arg7[%swap3A_46] {strides = array<i32>} : memref<640xf32, #tpu.memory_space<vmem>>, vector<16xf32>,
    %swap3A_48 = vector.shape_cast %swap3A_47 : vector<16xf32> to vector<16xf32>
    %swap3A_49 = vector.shape_cast %broadcast_in_dim3A_45 : vector<16xf32> to vector<16xf32>
    tpu.vector_store %arg7[%swap3A_46], %swap3A_49 {strides = array<i32>} : memref<640xf32, #tpu.memory_space<vmem>>, vector<16xf32>,
    %broadcast_in_dim3A_50 = arith.constant 0.000000e+00 : f32
    %broadcast_in_dim3A_51 = vector.broadcast %broadcast_in_dim3A_50 : f32 to vector<16xf32>
    %swap3A_52 = arith.constant 96 : index
    %swap3A_53 = tpu.vector_load %arg7[%swap3A_52] {strides = array<i32>} : memref<640xf32, #tpu.memory_space<vmem>>, vector<16xf32>,
    %swap3A_54 = vector.shape_cast %swap3A_53 : vector<16xf32> to vector<16xf32>
    %swap3A_55 = vector.shape_cast %broadcast_in_dim3A_51 : vector<16xf32> to vector<16xf32>
    tpu.vector_store %arg7[%swap3A_52], %swap3A_55 {strides = array<i32>} : memref<640xf32, #tpu.memory_space<vmem>>, vector<16xf32>,
    %broadcast_in_dim3A_56 = arith.constant 0.000000e+00 : f32
    %broadcast_in_dim3A_57 = vector.broadcast %broadcast_in_dim3A_56 : f32 to vector<16xf32>
    %swap3A_58 = arith.constant 112 : index
    %swap3A_59 = tpu.vector_load %arg7[%swap3A_58] {strides = array<i32>} : memref<640xf32, #tpu.memory_space<vmem>>, vector<16xf32>,
    %swap3A_60 = vector.shape_cast %swap3A_59 : vector<16xf32> to vector<16xf32>
    %swap3A_61 = vector.shape_cast %broadcast_in_dim3A_57 : vector<16xf32> to vector<16xf32>
    tpu.vector_store %arg7[%swap3A_58], %swap3A_61 {strides = array<i32>} : memref<640xf32, #tpu.memory_space<vmem>>, vector<16xf32>,
    %broadcast_in_dim3A_62 = arith.constant 0.000000e+00 : f32
    %broadcast_in_dim3A_63 = vector.broadcast %broadcast_in_dim3A_62 : f32 to vector<16xf32>
    %swap3A_64 = arith.constant 128 : index
    %swap3A_65 = tpu.vector_load %arg7[%swap3A_64] {strides = array<i32>} : memref<640xf32, #tpu.memory_space<vmem>>, vector<16xf32>,
    %swap3A_66 = vector.shape_cast %swap3A_65 : vector<16xf32> to vector<16xf32>
    %swap3A_67 = vector.shape_cast %broadcast_in_dim3A_63 : vector<16xf32> to vector<16xf32>
    tpu.vector_store %arg7[%swap3A_64], %swap3A_67 {strides = array<i32>} : memref<640xf32, #tpu.memory_space<vmem>>, vector<16xf32>,
    %broadcast_in_dim3A_68 = arith.constant 0.000000e+00 : f32
    %broadcast_in_dim3A_69 = vector.broadcast %broadcast_in_dim3A_68 : f32 to vector<16xf32>
    %swap3A_70 = arith.constant 144 : index
    %swap3A_71 = tpu.vector_load %arg7[%swap3A_70] {strides = array<i32>} : memref<640xf32, #tpu.memory_space<vmem>>, vector<16xf32>,
    %swap3A_72 = vector.shape_cast %swap3A_71 : vector<16xf32> to vector<16xf32>
    %swap3A_73 = vector.shape_cast %broadcast_in_dim3A_69 : vector<16xf32> to vector<16xf32>
    tpu.vector_store %arg7[%swap3A_70], %swap3A_73 {strides = array<i32>} : memref<640xf32, #tpu.memory_space<vmem>>, vector<16xf32>,
    %broadcast_in_dim3A_74 = arith.constant 0.000000e+00 : f32
    %broadcast_in_dim3A_75 = vector.broadcast %broadcast_in_dim3A_74 : f32 to vector<16xf32>
    %swap3A_76 = arith.constant 160 : index
    %swap3A_77 = tpu.vector_load %arg7[%swap3A_76] {strides = array<i32>} : memref<640xf32, #tpu.memory_space<vmem>>, vector<16xf32>,
    %swap3A_78 = vector.shape_cast %swap3A_77 : vector<16xf32> to vector<16xf32>
    %swap3A_79 = vector.shape_cast %broadcast_in_dim3A_75 : vector<16xf32> to vector<16xf32>
    tpu.vector_store %arg7[%swap3A_76], %swap3A_79 {strides = array<i32>} : memref<640xf32, #tpu.memory_space<vmem>>, vector<16xf32>,
    %broadcast_in_dim3A_80 = arith.constant 0.000000e+00 : f32
    %broadcast_in_dim3A_81 = vector.broadcast %broadcast_in_dim3A_80 : f32 to vector<16xf32>
    %swap3A_82 = arith.constant 176 : index
    %swap3A_83 = tpu.vector_load %arg7[%swap3A_82] {strides = array<i32>} : memref<640xf32, #tpu.memory_space<vmem>>, vector<16xf32>,
    %swap3A_84 = vector.shape_cast %swap3A_83 : vector<16xf32> to vector<16xf32>
    %swap3A_85 = vector.shape_cast %broadcast_in_dim3A_81 : vector<16xf32> to vector<16xf32>
    tpu.vector_store %arg7[%swap3A_82], %swap3A_85 {strides = array<i32>} : memref<640xf32, #tpu.memory_space<vmem>>, vector<16xf32>,
    %broadcast_in_dim3A_86 = arith.constant 0.000000e+00 : f32
    %broadcast_in_dim3A_87 = vector.broadcast %broadcast_in_dim3A_86 : f32 to vector<16xf32>
    %swap3A_88 = arith.constant 192 : index
    %swap3A_89 = tpu.vector_load %arg7[%swap3A_88] {strides = array<i32>} : memref<640xf32, #tpu.memory_space<vmem>>, vector<16xf32>,
    %swap3A_90 = vector.shape_cast %swap3A_89 : vector<16xf32> to vector<16xf32>
    %swap3A_91 = vector.shape_cast %broadcast_in_dim3A_87 : vector<16xf32> to vector<16xf32>
    tpu.vector_store %arg7[%swap3A_88], %swap3A_91 {strides = array<i32>} : memref<640xf32, #tpu.memory_space<vmem>>, vector<16xf32>,
    %broadcast_in_dim3A_92 = arith.constant 0.000000e+00 : f32
    %broadcast_in_dim3A_93 = vector.broadcast %broadcast_in_dim3A_92 : f32 to vector<16xf32>
    %swap3A_94 = arith.constant 208 : index
    %swap3A_95 = tpu.vector_load %arg7[%swap3A_94] {strides = array<i32>} : memref<640xf32, #tpu.memory_space<vmem>>, vector<16xf32>,
    %swap3A_96 = vector.shape_cast %swap3A_95 : vector<16xf32> to vector<16xf32>
    %swap3A_97 = vector.shape_cast %broadcast_in_dim3A_93 : vector<16xf32> to vector<16xf32>
    tpu.vector_store %arg7[%swap3A_94], %swap3A_97 {strides = array<i32>} : memref<640xf32, #tpu.memory_space<vmem>>, vector<16xf32>,
    %broadcast_in_dim3A_98 = arith.constant 0.000000e+00 : f32
    %broadcast_in_dim3A_99 = vector.broadcast %broadcast_in_dim3A_98 : f32 to vector<16xf32>
    %swap3A_100 = arith.constant 224 : index
    %swap3A_101 = tpu.vector_load %arg7[%swap3A_100] {strides = array<i32>} : memref<640xf32, #tpu.memory_space<vmem>>, vector<16xf32>,
    %swap3A_102 = vector.shape_cast %swap3A_101 : vector<16xf32> to vector<16xf32>
    %swap3A_103 = vector.shape_cast %broadcast_in_dim3A_99 : vector<16xf32> to vector<16xf32>
    tpu.vector_store %arg7[%swap3A_100], %swap3A_103 {strides = array<i32>} : memref<640xf32, #tpu.memory_space<vmem>>, vector<16xf32>,
    %broadcast_in_dim3A_104 = arith.constant 0.000000e+00 : f32
    %broadcast_in_dim3A_105 = vector.broadcast %broadcast_in_dim3A_104 : f32 to vector<16xf32>
    %swap3A_106 = arith.constant 240 : index
    %swap3A_107 = tpu.vector_load %arg7[%swap3A_106] {strides = array<i32>} : memref<640xf32, #tpu.memory_space<vmem>>, vector<16xf32>,
    %swap3A_108 = vector.shape_cast %swap3A_107 : vector<16xf32> to vector<16xf32>
    %swap3A_109 = vector.shape_cast %broadcast_in_dim3A_105 : vector<16xf32> to vector<16xf32>
    tpu.vector_store %arg7[%swap3A_106], %swap3A_109 {strides = array<i32>} : memref<640xf32, #tpu.memory_space<vmem>>, vector<16xf32>,
    %broadcast_in_dim3A_110 = arith.constant 0.000000e+00 : f32
    %broadcast_in_dim3A_111 = vector.broadcast %broadcast_in_dim3A_110 : f32 to vector<16xf32>
    %swap3A_112 = arith.constant 256 : index
    %swap3A_113 = tpu.vector_load %arg7[%swap3A_112] {strides = array<i32>} : memref<640xf32, #tpu.memory_space<vmem>>, vector<16xf32>,
    %swap3A_114 = vector.shape_cast %swap3A_113 : vector<16xf32> to vector<16xf32>
    %swap3A_115 = vector.shape_cast %broadcast_in_dim3A_111 : vector<16xf32> to vector<16xf32>
    tpu.vector_store %arg7[%swap3A_112], %swap3A_115 {strides = array<i32>} : memref<640xf32, #tpu.memory_space<vmem>>, vector<16xf32>,
    %broadcast_in_dim3A_116 = arith.constant 0.000000e+00 : f32
    %broadcast_in_dim3A_117 = vector.broadcast %broadcast_in_dim3A_116 : f32 to vector<16xf32>
    %swap3A_118 = arith.constant 272 : index
    %swap3A_119 = tpu.vector_load %arg7[%swap3A_118] {strides = array<i32>} : memref<640xf32, #tpu.memory_space<vmem>>, vector<16xf32>,
    %swap3A_120 = vector.shape_cast %swap3A_119 : vector<16xf32> to vector<16xf32>
    %swap3A_121 = vector.shape_cast %broadcast_in_dim3A_117 : vector<16xf32> to vector<16xf32>
    tpu.vector_store %arg7[%swap3A_118], %swap3A_121 {strides = array<i32>} : memref<640xf32, #tpu.memory_space<vmem>>, vector<16xf32>,
    %broadcast_in_dim3A_122 = arith.constant 0.000000e+00 : f32
    %broadcast_in_dim3A_123 = vector.broadcast %broadcast_in_dim3A_122 : f32 to vector<16xf32>
    %swap3A_124 = arith.constant 288 : index
    %swap3A_125 = tpu.vector_load %arg7[%swap3A_124] {strides = array<i32>} : memref<640xf32, #tpu.memory_space<vmem>>, vector<16xf32>,
    %swap3A_126 = vector.shape_cast %swap3A_125 : vector<16xf32> to vector<16xf32>
    %swap3A_127 = vector.shape_cast %broadcast_in_dim3A_123 : vector<16xf32> to vector<16xf32>
    tpu.vector_store %arg7[%swap3A_124], %swap3A_127 {strides = array<i32>} : memref<640xf32, #tpu.memory_space<vmem>>, vector<16xf32>,
    %broadcast_in_dim3A_128 = arith.constant 0.000000e+00 : f32
    %broadcast_in_dim3A_129 = vector.broadcast %broadcast_in_dim3A_128 : f32 to vector<16xf32>
    %swap3A_130 = arith.constant 304 : index
    %swap3A_131 = tpu.vector_load %arg7[%swap3A_130] {strides = array<i32>} : memref<640xf32, #tpu.memory_space<vmem>>, vector<16xf32>,
    %swap3A_132 = vector.shape_cast %swap3A_131 : vector<16xf32> to vector<16xf32>
    %swap3A_133 = vector.shape_cast %broadcast_in_dim3A_129 : vector<16xf32> to vector<16xf32>
    tpu.vector_store %arg7[%swap3A_130], %swap3A_133 {strides = array<i32>} : memref<640xf32, #tpu.memory_space<vmem>>, vector<16xf32>,
    %broadcast_in_dim3A_134 = arith.constant 0.000000e+00 : f32
    %broadcast_in_dim3A_135 = vector.broadcast %broadcast_in_dim3A_134 : f32 to vector<16xf32>
    %swap3A_136 = arith.constant 320 : index
    %swap3A_137 = tpu.vector_load %arg7[%swap3A_136] {strides = array<i32>} : memref<640xf32, #tpu.memory_space<vmem>>, vector<16xf32>,
    %swap3A_138 = vector.shape_cast %swap3A_137 : vector<16xf32> to vector<16xf32>
    %swap3A_139 = vector.shape_cast %broadcast_in_dim3A_135 : vector<16xf32> to vector<16xf32>
    tpu.vector_store %arg7[%swap3A_136], %swap3A_139 {strides = array<i32>} : memref<640xf32, #tpu.memory_space<vmem>>, vector<16xf32>,
    %broadcast_in_dim3A_140 = arith.constant 0.000000e+00 : f32
    %broadcast_in_dim3A_141 = vector.broadcast %broadcast_in_dim3A_140 : f32 to vector<16xf32>
    %swap3A_142 = arith.constant 336 : index
    %swap3A_143 = tpu.vector_load %arg7[%swap3A_142] {strides = array<i32>} : memref<640xf32, #tpu.memory_space<vmem>>, vector<16xf32>,
    %swap3A_144 = vector.shape_cast %swap3A_143 : vector<16xf32> to vector<16xf32>
    %swap3A_145 = vector.shape_cast %broadcast_in_dim3A_141 : vector<16xf32> to vector<16xf32>
    tpu.vector_store %arg7[%swap3A_142], %swap3A_145 {strides = array<i32>} : memref<640xf32, #tpu.memory_space<vmem>>, vector<16xf32>,
    %broadcast_in_dim3A_146 = arith.constant 0.000000e+00 : f32
    %broadcast_in_dim3A_147 = vector.broadcast %broadcast_in_dim3A_146 : f32 to vector<16xf32>
    %swap3A_148 = arith.constant 352 : index
    %swap3A_149 = tpu.vector_load %arg7[%swap3A_148] {strides = array<i32>} : memref<640xf32, #tpu.memory_space<vmem>>, vector<16xf32>,
    %swap3A_150 = vector.shape_cast %swap3A_149 : vector<16xf32> to vector<16xf32>
    %swap3A_151 = vector.shape_cast %broadcast_in_dim3A_147 : vector<16xf32> to vector<16xf32>
    tpu.vector_store %arg7[%swap3A_148], %swap3A_151 {strides = array<i32>} : memref<640xf32, #tpu.memory_space<vmem>>, vector<16xf32>,
    %broadcast_in_dim3A_152 = arith.constant 0.000000e+00 : f32
    %broadcast_in_dim3A_153 = vector.broadcast %broadcast_in_dim3A_152 : f32 to vector<16xf32>
    %swap3A_154 = arith.constant 368 : index
    %swap3A_155 = tpu.vector_load %arg7[%swap3A_154] {strides = array<i32>} : memref<640xf32, #tpu.memory_space<vmem>>, vector<16xf32>,
    %swap3A_156 = vector.shape_cast %swap3A_155 : vector<16xf32> to vector<16xf32>
    %swap3A_157 = vector.shape_cast %broadcast_in_dim3A_153 : vector<16xf32> to vector<16xf32>
    tpu.vector_store %arg7[%swap3A_154], %swap3A_157 {strides = array<i32>} : memref<640xf32, #tpu.memory_space<vmem>>, vector<16xf32>,
    %broadcast_in_dim3A_158 = arith.constant 0.000000e+00 : f32
    %broadcast_in_dim3A_159 = vector.broadcast %broadcast_in_dim3A_158 : f32 to vector<16xf32>
    %swap3A_160 = arith.constant 384 : index
    %swap3A_161 = tpu.vector_load %arg7[%swap3A_160] {strides = array<i32>} : memref<640xf32, #tpu.memory_space<vmem>>, vector<16xf32>,
    %swap3A_162 = vector.shape_cast %swap3A_161 : vector<16xf32> to vector<16xf32>
    %swap3A_163 = vector.shape_cast %broadcast_in_dim3A_159 : vector<16xf32> to vector<16xf32>
    tpu.vector_store %arg7[%swap3A_160], %swap3A_163 {strides = array<i32>} : memref<640xf32, #tpu.memory_space<vmem>>, vector<16xf32>,
    %broadcast_in_dim3A_164 = arith.constant 0.000000e+00 : f32
    %broadcast_in_dim3A_165 = vector.broadcast %broadcast_in_dim3A_164 : f32 to vector<16xf32>
    %swap3A_166 = arith.constant 400 : index
    %swap3A_167 = tpu.vector_load %arg7[%swap3A_166] {strides = array<i32>} : memref<640xf32, #tpu.memory_space<vmem>>, vector<16xf32>,
    %swap3A_168 = vector.shape_cast %swap3A_167 : vector<16xf32> to vector<16xf32>
    %swap3A_169 = vector.shape_cast %broadcast_in_dim3A_165 : vector<16xf32> to vector<16xf32>
    tpu.vector_store %arg7[%swap3A_166], %swap3A_169 {strides = array<i32>} : memref<640xf32, #tpu.memory_space<vmem>>, vector<16xf32>,
    %broadcast_in_dim3A_170 = arith.constant 0.000000e+00 : f32
    %broadcast_in_dim3A_171 = vector.broadcast %broadcast_in_dim3A_170 : f32 to vector<16xf32>
    %swap3A_172 = arith.constant 416 : index
    %swap3A_173 = tpu.vector_load %arg7[%swap3A_172] {strides = array<i32>} : memref<640xf32, #tpu.memory_space<vmem>>, vector<16xf32>,
    %swap3A_174 = vector.shape_cast %swap3A_173 : vector<16xf32> to vector<16xf32>
    %swap3A_175 = vector.shape_cast %broadcast_in_dim3A_171 : vector<16xf32> to vector<16xf32>
    tpu.vector_store %arg7[%swap3A_172], %swap3A_175 {strides = array<i32>} : memref<640xf32, #tpu.memory_space<vmem>>, vector<16xf32>,
    %broadcast_in_dim3A_176 = arith.constant 0.000000e+00 : f32
    %broadcast_in_dim3A_177 = vector.broadcast %broadcast_in_dim3A_176 : f32 to vector<16xf32>
    %swap3A_178 = arith.constant 432 : index
    %swap3A_179 = tpu.vector_load %arg7[%swap3A_178] {strides = array<i32>} : memref<640xf32, #tpu.memory_space<vmem>>, vector<16xf32>,
    %swap3A_180 = vector.shape_cast %swap3A_179 : vector<16xf32> to vector<16xf32>
    %swap3A_181 = vector.shape_cast %broadcast_in_dim3A_177 : vector<16xf32> to vector<16xf32>
    tpu.vector_store %arg7[%swap3A_178], %swap3A_181 {strides = array<i32>} : memref<640xf32, #tpu.memory_space<vmem>>, vector<16xf32>,
    %broadcast_in_dim3A_182 = arith.constant 0.000000e+00 : f32
    %broadcast_in_dim3A_183 = vector.broadcast %broadcast_in_dim3A_182 : f32 to vector<16xf32>
    %swap3A_184 = arith.constant 448 : index
    %swap3A_185 = tpu.vector_load %arg7[%swap3A_184] {strides = array<i32>} : memref<640xf32, #tpu.memory_space<vmem>>, vector<16xf32>,
    %swap3A_186 = vector.shape_cast %swap3A_185 : vector<16xf32> to vector<16xf32>
    %swap3A_187 = vector.shape_cast %broadcast_in_dim3A_183 : vector<16xf32> to vector<16xf32>
    tpu.vector_store %arg7[%swap3A_184], %swap3A_187 {strides = array<i32>} : memref<640xf32, #tpu.memory_space<vmem>>, vector<16xf32>,
    %broadcast_in_dim3A_188 = arith.constant 0.000000e+00 : f32
    %broadcast_in_dim3A_189 = vector.broadcast %broadcast_in_dim3A_188 : f32 to vector<16xf32>
    %swap3A_190 = arith.constant 464 : index
    %swap3A_191 = tpu.vector_load %arg7[%swap3A_190] {strides = array<i32>} : memref<640xf32, #tpu.memory_space<vmem>>, vector<16xf32>,
    %swap3A_192 = vector.shape_cast %swap3A_191 : vector<16xf32> to vector<16xf32>
    %swap3A_193 = vector.shape_cast %broadcast_in_dim3A_189 : vector<16xf32> to vector<16xf32>
    tpu.vector_store %arg7[%swap3A_190], %swap3A_193 {strides = array<i32>} : memref<640xf32, #tpu.memory_space<vmem>>, vector<16xf32>,
    %broadcast_in_dim3A_194 = arith.constant 0.000000e+00 : f32
    %broadcast_in_dim3A_195 = vector.broadcast %broadcast_in_dim3A_194 : f32 to vector<16xf32>
    %swap3A_196 = arith.constant 480 : index
    %swap3A_197 = tpu.vector_load %arg7[%swap3A_196] {strides = array<i32>} : memref<640xf32, #tpu.memory_space<vmem>>, vector<16xf32>,
    %swap3A_198 = vector.shape_cast %swap3A_197 : vector<16xf32> to vector<16xf32>
    %swap3A_199 = vector.shape_cast %broadcast_in_dim3A_195 : vector<16xf32> to vector<16xf32>
    tpu.vector_store %arg7[%swap3A_196], %swap3A_199 {strides = array<i32>} : memref<640xf32, #tpu.memory_space<vmem>>, vector<16xf32>,
    %broadcast_in_dim3A_200 = arith.constant 0.000000e+00 : f32
    %broadcast_in_dim3A_201 = vector.broadcast %broadcast_in_dim3A_200 : f32 to vector<16xf32>
    %swap3A_202 = arith.constant 496 : index
    %swap3A_203 = tpu.vector_load %arg7[%swap3A_202] {strides = array<i32>} : memref<640xf32, #tpu.memory_space<vmem>>, vector<16xf32>,
    %swap3A_204 = vector.shape_cast %swap3A_203 : vector<16xf32> to vector<16xf32>
    %swap3A_205 = vector.shape_cast %broadcast_in_dim3A_201 : vector<16xf32> to vector<16xf32>
    tpu.vector_store %arg7[%swap3A_202], %swap3A_205 {strides = array<i32>} : memref<640xf32, #tpu.memory_space<vmem>>, vector<16xf32>,
    %broadcast_in_dim3A_206 = arith.constant 0.000000e+00 : f32
    %broadcast_in_dim3A_207 = vector.broadcast %broadcast_in_dim3A_206 : f32 to vector<16xf32>
    %swap3A_208 = arith.constant 512 : index
    %swap3A_209 = tpu.vector_load %arg7[%swap3A_208] {strides = array<i32>} : memref<640xf32, #tpu.memory_space<vmem>>, vector<16xf32>,
    %swap3A_210 = vector.shape_cast %swap3A_209 : vector<16xf32> to vector<16xf32>
    %swap3A_211 = vector.shape_cast %broadcast_in_dim3A_207 : vector<16xf32> to vector<16xf32>
    tpu.vector_store %arg7[%swap3A_208], %swap3A_211 {strides = array<i32>} : memref<640xf32, #tpu.memory_space<vmem>>, vector<16xf32>,
    %broadcast_in_dim3A_212 = arith.constant 0.000000e+00 : f32
    %broadcast_in_dim3A_213 = vector.broadcast %broadcast_in_dim3A_212 : f32 to vector<16xf32>
    %swap3A_214 = arith.constant 528 : index
    %swap3A_215 = tpu.vector_load %arg7[%swap3A_214] {strides = array<i32>} : memref<640xf32, #tpu.memory_space<vmem>>, vector<16xf32>,
    %swap3A_216 = vector.shape_cast %swap3A_215 : vector<16xf32> to vector<16xf32>
    %swap3A_217 = vector.shape_cast %broadcast_in_dim3A_213 : vector<16xf32> to vector<16xf32>
    tpu.vector_store %arg7[%swap3A_214], %swap3A_217 {strides = array<i32>} : memref<640xf32, #tpu.memory_space<vmem>>, vector<16xf32>,
    %broadcast_in_dim3A_218 = arith.constant 0.000000e+00 : f32
    %broadcast_in_dim3A_219 = vector.broadcast %broadcast_in_dim3A_218 : f32 to vector<16xf32>
    %swap3A_220 = arith.constant 544 : index
    %swap3A_221 = tpu.vector_load %arg7[%swap3A_220] {strides = array<i32>} : memref<640xf32, #tpu.memory_space<vmem>>, vector<16xf32>,
    %swap3A_222 = vector.shape_cast %swap3A_221 : vector<16xf32> to vector<16xf32>
    %swap3A_223 = vector.shape_cast %broadcast_in_dim3A_219 : vector<16xf32> to vector<16xf32>
    tpu.vector_store %arg7[%swap3A_220], %swap3A_223 {strides = array<i32>} : memref<640xf32, #tpu.memory_space<vmem>>, vector<16xf32>,
    %broadcast_in_dim3A_224 = arith.constant 0.000000e+00 : f32
    %broadcast_in_dim3A_225 = vector.broadcast %broadcast_in_dim3A_224 : f32 to vector<16xf32>
    %swap3A_226 = arith.constant 560 : index
    %swap3A_227 = tpu.vector_load %arg7[%swap3A_226] {strides = array<i32>} : memref<640xf32, #tpu.memory_space<vmem>>, vector<16xf32>,
    %swap3A_228 = vector.shape_cast %swap3A_227 : vector<16xf32> to vector<16xf32>
    %swap3A_229 = vector.shape_cast %broadcast_in_dim3A_225 : vector<16xf32> to vector<16xf32>
    tpu.vector_store %arg7[%swap3A_226], %swap3A_229 {strides = array<i32>} : memref<640xf32, #tpu.memory_space<vmem>>, vector<16xf32>,
    %broadcast_in_dim3A_230 = arith.constant 0.000000e+00 : f32
    %broadcast_in_dim3A_231 = vector.broadcast %broadcast_in_dim3A_230 : f32 to vector<16xf32>
    %swap3A_232 = arith.constant 576 : index
    %swap3A_233 = tpu.vector_load %arg7[%swap3A_232] {strides = array<i32>} : memref<640xf32, #tpu.memory_space<vmem>>, vector<16xf32>,
    %swap3A_234 = vector.shape_cast %swap3A_233 : vector<16xf32> to vector<16xf32>
    %swap3A_235 = vector.shape_cast %broadcast_in_dim3A_231 : vector<16xf32> to vector<16xf32>
    tpu.vector_store %arg7[%swap3A_232], %swap3A_235 {strides = array<i32>} : memref<640xf32, #tpu.memory_space<vmem>>, vector<16xf32>,
    %broadcast_in_dim3A_236 = arith.constant 0.000000e+00 : f32
    %broadcast_in_dim3A_237 = vector.broadcast %broadcast_in_dim3A_236 : f32 to vector<16xf32>
    %swap3A_238 = arith.constant 592 : index
    %swap3A_239 = tpu.vector_load %arg7[%swap3A_238] {strides = array<i32>} : memref<640xf32, #tpu.memory_space<vmem>>, vector<16xf32>,
    %swap3A_240 = vector.shape_cast %swap3A_239 : vector<16xf32> to vector<16xf32>
    %swap3A_241 = vector.shape_cast %broadcast_in_dim3A_237 : vector<16xf32> to vector<16xf32>
    tpu.vector_store %arg7[%swap3A_238], %swap3A_241 {strides = array<i32>} : memref<640xf32, #tpu.memory_space<vmem>>, vector<16xf32>,
    %broadcast_in_dim3A_242 = arith.constant 0.000000e+00 : f32
    %broadcast_in_dim3A_243 = vector.broadcast %broadcast_in_dim3A_242 : f32 to vector<16xf32>
    %swap3A_244 = arith.constant 608 : index
    %swap3A_245 = tpu.vector_load %arg7[%swap3A_244] {strides = array<i32>} : memref<640xf32, #tpu.memory_space<vmem>>, vector<16xf32>,
    %swap3A_246 = vector.shape_cast %swap3A_245 : vector<16xf32> to vector<16xf32>
    %swap3A_247 = vector.shape_cast %broadcast_in_dim3A_243 : vector<16xf32> to vector<16xf32>
    tpu.vector_store %arg7[%swap3A_244], %swap3A_247 {strides = array<i32>} : memref<640xf32, #tpu.memory_space<vmem>>, vector<16xf32>,
    %broadcast_in_dim3A_248 = arith.constant 0.000000e+00 : f32
    %broadcast_in_dim3A_249 = vector.broadcast %broadcast_in_dim3A_248 : f32 to vector<16xf32>
    %swap3A_250 = arith.constant 624 : index
    %swap3A_251 = tpu.vector_load %arg7[%swap3A_250] {strides = array<i32>} : memref<640xf32, #tpu.memory_space<vmem>>, vector<16xf32>,
    %swap3A_252 = vector.shape_cast %swap3A_251 : vector<16xf32> to vector<16xf32>
    %swap3A_253 = vector.shape_cast %broadcast_in_dim3A_249 : vector<16xf32> to vector<16xf32>
    tpu.vector_store %arg7[%swap3A_250], %swap3A_253 {strides = array<i32>} : memref<640xf32, #tpu.memory_space<vmem>>, vector<16xf32>,
    %mul3A_254 = arith.constant 640 : i32
    %mul3A_255 = arith.muli %arg1, %mul3A_254 : i32
    "tpu.region"() ({
      %run_scoped3A = tpu.sem_alloc : memref<!tpu.dma_semaphore, #tpu.memory_space<semaphore_mem>>
      %dma_start3A_272 = tpu.memref_slice %arg8[%mul3A_255] : memref<10240xf32, #tpu.memory_space<vmem_shared>> -> memref<640xf32, #tpu.memory_space<vmem_shared>>
      %dma_start3A_273 = tpu.memref_slice %arg8[%mul3A_255] : memref<10240xf32, #tpu.memory_space<vmem_shared>> -> memref<640xf32, #tpu.memory_space<vmem_shared>>
      tpu.enqueue_dma source(%arg7 : memref<640xf32, #tpu.memory_space<vmem>>) target(%dma_start3A_273 : memref<640xf32, #tpu.memory_space<vmem_shared>>) target_semaphore(%run_scoped3A : memref<!tpu.dma_semaphore, #tpu.memory_space<semaphore_mem>>)
      %dma_wait3A_274 = tpu.memref_slice %arg8[%mul3A_255] : memref<10240xf32, #tpu.memory_space<vmem_shared>> -> memref<640xf32, #tpu.memory_space<vmem_shared>>
      %dma_wait3A_275 = tpu.memref_slice %arg8[%mul3A_255] : memref<10240xf32, #tpu.memory_space<vmem_shared>> -> memref<640xf32, #tpu.memory_space<vmem_shared>>
      tpu.wait_dma2 semaphore(%run_scoped3A : memref<!tpu.dma_semaphore, #tpu.memory_space<semaphore_mem>>) src(%arg7 : memref<640xf32, #tpu.memory_space<vmem>>) dst(%dma_wait3A_275 : memref<640xf32, #tpu.memory_space<vmem_shared>>)
      tpu.yield
    }) : () -> ()
    %lt3A = arith.constant 4 : i32
    %lt3A_256 = arith.cmpi slt, %add3A, %lt3A : i32
    %convert_element_type3A = arith.extui %lt3A_256 : i1 to i32
    %cond3A = arith.constant 0 : i32
    %cond3A_257 = arith.cmpi ne, %convert_element_type3A, %cond3A : i32
    scf.if %cond3A_257 {
      %add3A_272 = arith.constant 9984 : i32
      %add3A_273 = arith.addi %mul3A_6, %add3A_272 : i32
      %run_scoped3A = arith.constant 0 : i32
      "tpu.region"() ({
        %run_scoped3A_274 = tpu.sem_alloc : memref<!tpu.dma_semaphore, #tpu.memory_space<semaphore_mem>>
        %dma_start3A_275 = tpu.memref_slice %arg2[%run_scoped3A, %add3A_273] : memref<2x320000xi32, #tpu.memory_space<hbm>> -> memref<1x128xi32, #tpu.memory_space<hbm>>
        %dma_start3A_276 = tpu.memref_squeeze %dma_start3A_275 : memref<1x128xi32, #tpu.memory_space<hbm>> -> memref<128xi32, #tpu.memory_space<hbm>>
        %dma_start3A_277 = tpu.memref_slice %arg2[%run_scoped3A, %add3A_273] : memref<2x320000xi32, #tpu.memory_space<hbm>> -> memref<1x128xi32, #tpu.memory_space<hbm>>
        %dma_start3A_278 = tpu.memref_squeeze %dma_start3A_277 : memref<1x128xi32, #tpu.memory_space<hbm>> -> memref<128xi32, #tpu.memory_space<hbm>>
        tpu.enqueue_dma source(%dma_start3A_278 : memref<128xi32, #tpu.memory_space<hbm>>) target(%arg5 : memref<128xi32, #tpu.memory_space<vmem>>) target_semaphore(%run_scoped3A_274 : memref<!tpu.dma_semaphore, #tpu.memory_space<semaphore_mem>>)
        %dma_wait3A_279 = tpu.memref_slice %arg2[%run_scoped3A, %add3A_273] : memref<2x320000xi32, #tpu.memory_space<hbm>> -> memref<1x128xi32, #tpu.memory_space<hbm>>
        %dma_wait3A_280 = tpu.memref_squeeze %dma_wait3A_279 : memref<1x128xi32, #tpu.memory_space<hbm>> -> memref<128xi32, #tpu.memory_space<hbm>>
        %dma_wait3A_281 = tpu.memref_slice %arg2[%run_scoped3A, %add3A_273] : memref<2x320000xi32, #tpu.memory_space<hbm>> -> memref<1x128xi32, #tpu.memory_space<hbm>>
        %dma_wait3A_282 = tpu.memref_squeeze %dma_wait3A_281 : memref<1x128xi32, #tpu.memory_space<hbm>> -> memref<128xi32, #tpu.memory_space<hbm>>
        tpu.wait_dma2 semaphore(%run_scoped3A_274 : memref<!tpu.dma_semaphore, #tpu.memory_space<semaphore_mem>>) src(%dma_wait3A_282 : memref<128xi32, #tpu.memory_space<hbm>>) dst(%arg5 : memref<128xi32, #tpu.memory_space<vmem>>)
        tpu.yield
      }) : () -> ()
    } else {
    }
    %dma_wait3A = arith.constant 0 : i32
    %dma_wait3A_258 = tpu.memref_slice %arg2[%dma_wait3A, %mul3A_6] : memref<2x320000xi32, #tpu.memory_space<hbm>> -> memref<1x9984xi32, #tpu.memory_space<hbm>>
    %dma_wait3A_259 = tpu.memref_squeeze %dma_wait3A_258 : memref<1x9984xi32, #tpu.memory_space<hbm>> -> memref<9984xi32, #tpu.memory_space<hbm>>
    %dma_wait3A_260 = tpu.memref_slice %arg2[%dma_wait3A, %mul3A_6] : memref<2x320000xi32, #tpu.memory_space<hbm>> -> memref<1x9984xi32, #tpu.memory_space<hbm>>
    %dma_wait3A_261 = tpu.memref_squeeze %dma_wait3A_260 : memref<1x9984xi32, #tpu.memory_space<hbm>> -> memref<9984xi32, #tpu.memory_space<hbm>>
    tpu.wait_dma2 semaphore(%arg9 : memref<!tpu.dma_semaphore, #tpu.memory_space<semaphore_mem>>) src(%dma_wait3A_261 : memref<9984xi32, #tpu.memory_space<hbm>>) dst(%arg4 : memref<9984xi32, #tpu.memory_space<vmem>>)
    %barrier3A = arith.constant 0 : index
    tpu.barrier barrier_id(%barrier3A)
    "tpu.region"() ({
      %run_scoped3A = tpu.sem_alloc : memref<!tpu.dma_semaphore, #tpu.memory_space<semaphore_mem>>
      %dma_start3A_272 = arith.constant 0 : i32
      %dma_start3A_273 = tpu.memref_slice %arg8[%dma_start3A_272] : memref<10240xf32, #tpu.memory_space<vmem_shared>> -> memref<10240xf32, #tpu.memory_space<vmem_shared>>
      tpu.enqueue_indirect_dma source(%arg6 : memref<9984xf32, #tpu.memory_space<vmem>>) target(%dma_start3A_273 : memref<10240xf32, #tpu.memory_space<vmem_shared>>) offsets(%arg4 : memref<9984xi32, #tpu.memory_space<vmem>>) semaphore(%run_scoped3A : memref<!tpu.dma_semaphore, #tpu.memory_space<semaphore_mem>>) {add = true}
      %dma_wait3A_274 = arith.constant 0 : i32
      %dma_wait3A_275 = tpu.memref_slice %arg8[%dma_wait3A_274] : memref<10240xf32, #tpu.memory_space<vmem_shared>> -> memref<10240xf32, #tpu.memory_space<vmem_shared>>
      tpu.wait_indirect_dma semaphore(%run_scoped3A : memref<!tpu.dma_semaphore, #tpu.memory_space<semaphore_mem>>) src(%arg6 : memref<9984xf32, #tpu.memory_space<vmem>>) dst(%dma_wait3A_275 : memref<10240xf32, #tpu.memory_space<vmem_shared>>)
      tpu.yield
    }) : () -> ()
    %lt3A_262 = arith.constant 4 : i32
    %lt3A_263 = arith.cmpi slt, %add3A, %lt3A_262 : i32
    %convert_element_type3A_264 = arith.extui %lt3A_263 : i1 to i32
    %cond3A_265 = arith.constant 0 : i32
    %cond3A_266 = arith.cmpi ne, %convert_element_type3A_264, %cond3A_265 : i32
    scf.if %cond3A_266 {
      "tpu.region"() ({
        %run_scoped3A = tpu.sem_alloc : memref<!tpu.dma_semaphore, #tpu.memory_space<semaphore_mem>>
        %dma_start3A_272 = arith.constant 0 : i32
        %dma_start3A_273 = tpu.memref_slice %arg6[%dma_start3A_272] : memref<9984xf32, #tpu.memory_space<vmem>> -> memref<128xf32, #tpu.memory_space<vmem>>
        %dma_start3A_274 = arith.constant 0 : i32
        %dma_start3A_275 = tpu.memref_slice %arg8[%dma_start3A_274] : memref<10240xf32, #tpu.memory_space<vmem_shared>> -> memref<10240xf32, #tpu.memory_space<vmem_shared>>
        tpu.enqueue_indirect_dma source(%dma_start3A_273 : memref<128xf32, #tpu.memory_space<vmem>>) target(%dma_start3A_275 : memref<10240xf32, #tpu.memory_space<vmem_shared>>) offsets(%arg5 : memref<128xi32, #tpu.memory_space<vmem>>) semaphore(%run_scoped3A : memref<!tpu.dma_semaphore, #tpu.memory_space<semaphore_mem>>) {add = true}
        %dma_wait3A_276 = arith.constant 0 : i32
        %dma_wait3A_277 = tpu.memref_slice %arg6[%dma_wait3A_276] : memref<9984xf32, #tpu.memory_space<vmem>> -> memref<128xf32, #tpu.memory_space<vmem>>
        %dma_wait3A_278 = arith.constant 0 : i32
        %dma_wait3A_279 = tpu.memref_slice %arg8[%dma_wait3A_278] : memref<10240xf32, #tpu.memory_space<vmem_shared>> -> memref<10240xf32, #tpu.memory_space<vmem_shared>>
        tpu.wait_indirect_dma semaphore(%run_scoped3A : memref<!tpu.dma_semaphore, #tpu.memory_space<semaphore_mem>>) src(%dma_wait3A_277 : memref<128xf32, #tpu.memory_space<vmem>>) dst(%dma_wait3A_279 : memref<10240xf32, #tpu.memory_space<vmem_shared>>)
        tpu.yield
      }) : () -> ()
    } else {
    }
    %barrier3A_267 = arith.constant 0 : index
    tpu.barrier barrier_id(%barrier3A_267)
    %eq3A = arith.constant 0 : i32
    %eq3A_268 = arith.cmpi eq, %arg1, %eq3A : i32
    %convert_element_type3A_269 = arith.extui %eq3A_268 : i1 to i32
    %cond3A_270 = arith.constant 0 : i32
    %cond3A_271 = arith.cmpi ne, %convert_element_type3A_269, %cond3A_270 : i32
    scf.if %cond3A_271 {
      "tpu.region"() ({
        %run_scoped3A = tpu.sem_alloc : memref<!tpu.dma_semaphore, #tpu.memory_space<semaphore_mem>>
        %dma_start3A_272 = arith.constant 0 : i32
        %dma_start3A_273 = tpu.memref_slice %arg3[%arg0, %dma_start3A_272] : memref<2x10240xf32, #tpu.memory_space<hbm>> -> memref<1x10240xf32, #tpu.memory_space<hbm>>
        %dma_start3A_274 = tpu.memref_squeeze %dma_start3A_273 : memref<1x10240xf32, #tpu.memory_space<hbm>> -> memref<10240xf32, #tpu.memory_space<hbm>>
        tpu.enqueue_dma source(%arg8 : memref<10240xf32, #tpu.memory_space<vmem_shared>>) target(%dma_start3A_274 : memref<10240xf32, #tpu.memory_space<hbm>>) target_semaphore(%run_scoped3A : memref<!tpu.dma_semaphore, #tpu.memory_space<semaphore_mem>>)
        %dma_wait3A_275 = arith.constant 0 : i32
        %dma_wait3A_276 = tpu.memref_slice %arg3[%arg0, %dma_wait3A_275] : memref<2x10240xf32, #tpu.memory_space<hbm>> -> memref<1x10240xf32, #tpu.memory_space<hbm>>
        %dma_wait3A_277 = tpu.memref_squeeze %dma_wait3A_276 : memref<1x10240xf32, #tpu.memory_space<hbm>> -> memref<10240xf32, #tpu.memory_space<hbm>>
        tpu.wait_dma2 semaphore(%run_scoped3A : memref<!tpu.dma_semaphore, #tpu.memory_space<semaphore_mem>>) src(%arg8 : memref<10240xf32, #tpu.memory_space<vmem_shared>>) dst(%dma_wait3A_277 : memref<10240xf32, #tpu.memory_space<hbm>>)
        tpu.yield
      }) : () -> ()
    } else {
    }
    return
  }
}

module attributes {stable_mosaic.version = 14 : i64} {
  func.func @_tc_fused_body(%arg0: i32, %arg1: memref<5120x128xf32, #tpu.memory_space<vmem>>, %arg2: memref<128x128xf32, #tpu.memory_space<vmem>>, %arg3: memref<1x128xf32, #tpu.memory_space<vmem>>, %arg4: memref<2x5120xf32, #tpu.memory_space<vmem>>, %arg5: memref<5120x128xf32, #tpu.memory_space<vmem>>) attributes {dimension_semantics = [#tpu.dimension_semantics<arbitrary>], iteration_bounds = array<i64: 2>, scalar_prefetch = 0 : i64, scratch_operands = 0 : i64, tpu.core_type = #tpu.core_type<tc>, window_params = [{transform_indices = @transform_0, window_bounds = array<i64: 5120, 128>}, {pipeline_mode = #tpu.pipeline_mode<synchronous>, transform_indices = @transform_1, window_bounds = array<i64: 128, 128>}, {pipeline_mode = #tpu.pipeline_mode<synchronous>, transform_indices = @transform_2, window_bounds = array<i64: 1, 128>}, {transform_indices = @transform_3, window_bounds = array<i64: 2, 5120>}, {transform_indices = @transform_4, window_bounds = array<i64: 5120, 128>}]} {
    %get3A = arith.constant 0 : index
    %get3A_0 = arith.constant 0 : index
    %get3A_1 = vector.load %arg1[%get3A, %get3A_0] : memref<5120x128xf32, #tpu.memory_space<vmem>>, vector<5120x128xf32>
    %get3A_2 = arith.constant 0 : index
    %get3A_3 = arith.constant 0 : index
    %get3A_4 = vector.load %arg2[%get3A_2, %get3A_3] : memref<128x128xf32, #tpu.memory_space<vmem>>, vector<128x128xf32>
    %dot_general3A = arith.constant dense<0.000000e+00> : vector<5120x128xf32>
    %dot_general3A_5 = tpu.matmul %get3A_1, %get3A_4, %dot_general3A {dimension_numbers = #tpu.dot_dimension_numbers<[1], [1], [0], [0], [0, 0, 1, 0], [], []>, transpose_lhs_hint = false} : vector<5120x128xf32>, vector<128x128xf32>, vector<5120x128xf32> -> vector<5120x128xf32>
    %get3A_6 = arith.constant 0 : index
    %get3A_7 = arith.constant 0 : index
    %get3A_8 = vector.load %arg3[%get3A_6, %get3A_7] : memref<1x128xf32, #tpu.memory_space<vmem>>, vector<1x128xf32>
    %add3A = vector.broadcast %get3A_8 : vector<1x128xf32> to vector<5120x128xf32>
    %add3A_9 = arith.addf %dot_general3A_5, %add3A : vector<5120x128xf32>
    %get3A_10 = arith.constant 0 : index
    %get3A_11 = arith.constant 0 : index
    %get3A_12 = vector.load %arg4[%get3A_10, %get3A_11] : memref<2x5120xf32, #tpu.memory_space<vmem>>, vector<1x5120xf32>
    %get3A_13 = vector.shape_cast %get3A_12 : vector<1x5120xf32> to vector<5120xf32>
    %get3A_14 = arith.constant 1 : index
    %get3A_15 = arith.constant 0 : index
    %get3A_16 = vector.load %arg4[%get3A_14, %get3A_15] : memref<2x5120xf32, #tpu.memory_space<vmem>>, vector<1x5120xf32>
    %get3A_17 = vector.shape_cast %get3A_16 : vector<1x5120xf32> to vector<5120xf32>
    %add3A_18 = arith.addf %get3A_13, %get3A_17 : vector<5120xf32>
    %broadcast_in_dim3A = vector.shape_cast %add3A_18 : vector<5120xf32> to vector<5120x1xf32>
    %mul3A = vector.broadcast %broadcast_in_dim3A : vector<5120x1xf32> to vector<5120x128xf32>
    %mul3A_19 = arith.mulf %add3A_9, %mul3A : vector<5120x128xf32>
    %swap3A = arith.constant 0 : index
    %swap3A_20 = arith.constant 0 : index
    %swap3A_21 = vector.load %arg5[%swap3A, %swap3A_20] : memref<5120x128xf32, #tpu.memory_space<vmem>>, vector<5120x128xf32>
    tpu.vector_store %arg5[%swap3A, %swap3A_20], %mul3A_19 {strides = array<i32>} : memref<5120x128xf32, #tpu.memory_space<vmem>>, vector<5120x128xf32>,
    return
  }
  func.func @transform_0(%arg0: i32) -> (i32, i32) {
    %c0_i32 = arith.constant 0 : i32
    %c0_i32_0 = arith.constant 0 : i32
    return %arg0, %c0_i32 : i32, i32
  }
  func.func @transform_1(%arg0: i32) -> (i32, i32) {
    %c0_i32 = arith.constant 0 : i32
    %c0_i32_0 = arith.constant 0 : i32
    %c0_i32_1 = arith.constant 0 : i32
    return %c0_i32, %c0_i32_0 : i32, i32
  }
  func.func @transform_2(%arg0: i32) -> (i32, i32) {
    %c0_i32 = arith.constant 0 : i32
    %c0_i32_0 = arith.constant 0 : i32
    %c0_i32_1 = arith.constant 0 : i32
    return %c0_i32, %c0_i32_0 : i32, i32
  }
  func.func @transform_3(%arg0: i32) -> (i32, i32) {
    %c0_i32 = arith.constant 0 : i32
    %c0_i32_0 = arith.constant 0 : i32
    return %c0_i32, %arg0 : i32, i32
  }
  func.func @transform_4(%arg0: i32) -> (i32, i32) {
    %c0_i32 = arith.constant 0 : i32
    %c0_i32_0 = arith.constant 0 : i32
    return %arg0, %c0_i32 : i32, i32
  }
}

</mosaic_0001>

<sc_bundles>
// kernel: kernel.4.cloned.1.call-start
scs
__scs_entry_jumppad:
0x0: {  	(pc) =	sbr.rel $0x88, $3  }
0x1: {  	(tag) =	ssettag $0x0;
	lr =	simm.s32 $0x1  }
0x2: {  	[smem:$0x3F9D] =	sst lr;
	_ =	strace $0xD0000000  }
0x3: {  	_ = 	snop  }
0x4: {  	_ = 	snop  }
0x5: {  	_ = 	snop  }
0x6: {  	_ = 	snop  }
0x7: {  	_ = 	snop  }
__scs_overlays_trampoline_lowered:
0x8: {  	[smem:$0x3FAC] =	sst s0  }
0x9: {  	[smem:$0x3FAD] =	sst s1  }
0xa: {  	[smem:$0x3FAE] =	sst s2  }
0xb: {  	[smem:$0x3FAF] =	sst s3  }
0xc: {  	[smem:$0x3FB0] =	sst s4  }
0xd: {  	[smem:$0x3FB1] =	sst s5  }
0xe: {  	[smem:$0x3FB2] =	sst s6  }
0xf: {  	[smem:$0x3FB3] =	sst s7  }
0x10: {  	[smem:$0x3FB4] =	sst s8  }
0x11: {  	[smem:$0x3FB5] =	sst s9;
	s0 =	simm.s32 @!p0 $0x0  }
0x12: {  	s1 =	sld [smem:$0x3F9B];
	s0 =	simm.s32 @p0 $0x1  }
0x13: {  	[smem:$0x3FB6] =	sst s0;
	s0 =	simm.s32 @!p1 $0x0  }
0x14: {  	s2 =	sld [smem:$0x3F9A];
	s0 =	simm.s32 @p1 $0x1  }
0x15: {  	[smem:$0x3FB7] =	sst s0;
	s0 =	simm.s32 @!p2 $0x0  }
0x16: {  	s3 =	sld [smem:$0x3FDB];
	s0 =	simm.s32 @p2 $0x1  }
0x17: {  	s4 =	simm.s32 $0x1BF5;
	[smem:$0x3FB9] =	sst s0  }
0x18: {  	s0 =	sld [smem:$0x3F9C];
	_ =	swait.ge [sflag:s4], $0x0  }
0x19: {  	s7 =	sld [smem:$0x3F9D]  }
0x1a: {  	s8 =	sadd.s32 $0xFFFFE003, lr  }
0x1b: {  	s9 =	sadd.s32 $0xFFFFFEF7, lr;
	s5 =	simm.s32 $0xFFFFFFFF;
	p2 =	slt.u32 s8, $0xFFFFF086  }
0x1c: {  	p1 =	slt.u32 s9, $0xF7A;
	s5 =	simm.s32 @!p2 $0x0  }
0x1d: {  	s5 =	simm.s32 @p1 $0x1;
	p0 =	seq.s32 s7, s2  }
0x1e: {  	s7 =	smul.u32 @!p0 $0xF7A, s2;
	p2 =	seq.s32 @!p0 s5, $0x0  }
0x1f: {  	s9 =	smul.u32 $0xF7A, s1;
	s8 =	simm.s32 @!p0 $0x1BF5;
	p2 =	por !p2, p0  }
0x20: {  	[sflag:s8] =	ssyncset.s32 @!p0 $0xFFFFF086;
	s6 =	sadd.s32 @!p0 s3, s7;
	s7 =	simm.s32 @!p0 $0x108  }
0x21: {  	s3 =	sadd.s32 s3, s9;
	s6 =	sadd.s32 @!p0 $0x88, s6;
	s7 =	simm.s32 @p2 $0x1082  }
0x22: {  	[simem:s7], [sflag:s8] =	dma.local @!p0 [hbm:s6], $0xF7A  }
0x23: {  	s9 =	sor.u32 $0xD0000000, s2;
	s6 =	simm.s32 $0x108;
	_ =	swait.ge @!p0 [sflag:s8], $0x0  }
0x24: {  	s3 =	sadd.s32 $0x88, s3;
	s6 =	simm.s32 @!p1 $0x1082;
	[sflag:s4] =	ssyncset.s32 $0xFFFFF086  }
0x25: {  	[simem:s6], [sflag:s4] =	dma.local [hbm:s3], $0xF7A  }
0x26: {  	[smem:$0x3F9D] =	sst s1;
	(tag) =	ssettag s2;
	_ =	strace s9  }
0x27: {  	s1 =	sld [smem:$0x3FAD]  }
0x28: {  	s2 =	sld [smem:$0x3FAE]  }
0x29: {  	s4 =	sld [smem:$0x3FB0]  }
0x2a: {  	p0 =	seq.s32 s5, $0x0;
	s5 =	sld [smem:$0x3FB1]  }
0x2b: {  	s6 =	sld [smem:$0x3FB2]  }
0x2c: {  	s7 =	sld [smem:$0x3FB3]  }
0x2d: {  	s3 =	simm.s32 $0x108;
	s8 =	sld [smem:$0x3FB4]  }
0x2e: {  	s3 =	simm.s32 @!p0 $0x1082;
	s9 =	sld [smem:$0x3FB5]  }
0x2f: {  	lr =	sadd.s32 s0, s3;
	s0 =	sld [smem:$0x3FAC]  }
0x30: {  	s3 =	sld [smem:$0x3FAF]  }
0x31: {  	[smem:$0x3FB8] =	sst s10  }
0x32: {  	s10 =	sld [smem:$0x3FB6];
	_ =	sdelay $0x3  }
0x33: {  	p0 =	seq.s32 s10, $0x1;
	s10 =	sld [smem:$0x3FB8];
	_ =	sdelay $0x3  }
0x34: {  	[smem:$0x3FB8] =	sst s10  }
0x35: {  	s10 =	sld [smem:$0x3FB7];
	_ =	sdelay $0x3  }
0x36: {  	p1 =	seq.s32 s10, $0x1;
	s10 =	sld [smem:$0x3FB8];
	_ =	sdelay $0x3  }
0x37: {  	[smem:$0x3FB8] =	sst s10  }
0x38: {  	s10 =	sld [smem:$0x3FB9]  }
0x39: {  	_ = 	snop;
	(pc) =	sbr.ind lr, $3  }
0x3a: {  	_ = 	snop  }
0x3b: {  	_ = 	snop  }
0x3c: {  	p2 =	seq.s32 s10, $0x1;
	s10 =	sld [smem:$0x3FB8]  }
0x3d: {  	_ =	shalt  }
0x3e: {  	_ =	shalt  }
0x3f: {  	_ =	shalt  }
0x40: {  	_ =	shalt  }
0x41: {  	_ =	shalt  }
0x42: {  	_ =	shalt  }
0x43: {  	_ =	shalt  }
0x44: {  	_ =	shalt  }
0x45: {  	_ =	shalt  }
0x46: {  	_ =	shalt  }
0x47: {  	_ =	shalt  }
0x48: {  	_ =	shalt  }
0x49: {  	_ =	shalt  }
0x4a: {  	_ =	shalt  }
0x4b: {  	_ =	shalt  }
0x4c: {  	_ =	shalt  }
0x4d: {  	_ =	shalt  }
0x4e: {  	_ =	shalt  }
0x4f: {  	_ =	shalt  }
0x50: {  	_ =	shalt  }
0x51: {  	_ =	shalt  }
0x52: {  	_ =	shalt  }
0x53: {  	_ =	shalt  }
0x54: {  	_ =	shalt  }
0x55: {  	_ =	shalt  }
0x56: {  	_ =	shalt  }
0x57: {  	_ =	shalt  }
0x58: {  	_ =	shalt  }
0x59: {  	_ =	shalt  }
0x5a: {  	_ =	shalt  }
0x5b: {  	_ =	shalt  }
0x5c: {  	_ =	shalt  }
0x5d: {  	_ =	shalt  }
0x5e: {  	_ =	shalt  }
0x5f: {  	_ =	shalt  }
0x60: {  	_ =	shalt  }
0x61: {  	_ =	shalt  }
0x62: {  	_ =	shalt  }
0x63: {  	_ =	shalt  }
0x64: {  	_ =	shalt  }
0x65: {  	_ =	shalt  }
0x66: {  	_ =	shalt  }
0x67: {  	_ =	shalt  }
0x68: {  	_ =	shalt  }
0x69: {  	_ =	shalt  }
0x6a: {  	_ =	shalt  }
0x6b: {  	_ =	shalt  }
0x6c: {  	_ =	shalt  }
0x6d: {  	_ =	shalt  }
0x6e: {  	_ =	shalt  }
0x6f: {  	_ =	shalt  }
0x70: {  	_ =	shalt  }
0x71: {  	_ =	shalt  }
0x72: {  	_ =	shalt  }
0x73: {  	_ =	shalt  }
0x74: {  	_ =	shalt  }
0x75: {  	_ =	shalt  }
0x76: {  	_ =	shalt  }
0x77: {  	_ =	shalt  }
0x78: {  	_ =	shalt  }
0x79: {  	_ =	shalt  }
0x7a: {  	_ =	shalt  }
0x7b: {  	_ =	shalt  }
0x7c: {  	_ =	shalt  }
0x7d: {  	_ =	shalt  }
0x7e: {  	_ =	shalt  }
0x7f: {  	_ =	shalt  }
0x80: {  	_ =	shalt  }
0x81: {  	_ =	shalt  }
0x82: {  	_ =	shalt  }
0x83: {  	_ =	shalt  }
0x84: {  	_ =	shalt  }
0x85: {  	_ =	shalt  }
0x86: {  	_ =	shalt  }
0x87: {  	_ =	shalt  }
.Lfunc_end0:
.L_simem_size_0:
called_computation_lowered:
.L_overlay_start_0:
0x88: {  	s2 =	sld [smem:$0x3FD9]  }
0x89: {  	s3 =	sld [smem:$0x3FFE];
	_ =	sdelay $0x1  }
0x8a: {  	s1 =	srdreg.scid  }
0x8b: {  	s0 =	sand.u32 $0x1, s1  }
0x8c: {  	s18 =	sshll.u32 s0, $0xA;
	s2 =	sadd.s32 s3, s2  }
0x8d: {  	s2 =	sadd.s32 s2, s18  }
0x8e: {  	[smem:$0x3FC4] =	sst s2  }
0x8f: {  	_ = 	snop  }
0x90: {  	s2 =	sld [smem:$0x3FC8]  }
0x91: {  	s19 =	sld [smem:$0x3FD0];
	(tm) =	ssettm $0x1  }
0x92: {  	s4 =	sld [smem:$0x3FFB];
	_ =	sdelay $0x3  }
0x93: {  	_ =	strace s4  }
0x94: {  	s4 =	sld [smem:$0x3FFC];
	_ =	sdelay $0x3  }
0x95: {  	_ =	strace s4  }
0x96: {  	s4 =	sld [smem:$0x3FFD];
	_ =	sdelay $0x3  }
0x97: {  	_ =	strace s4  }
0x98: {  	_ =	strace $0x8FFFFFFF  }
0x99: {  	s20 =	sld [smem:$0x3FDB];
	_ =	sdelay $0x1  }
0x9a: {  	s5 =	simm.s32 $_scs_section_size  }
0x9b: {  	s6 =	simm.s32 $_size__tile_overlayer_lowered;
	s7 =	simm.s32 $_tile_overlayer_lowered  }
0x9c: {  	s23 =	simm.s32 $0x1BFF;
	s22 =	sshll.u32 s7, $0x1;
	s4 =	sadd.s32 s5, s20  }
0x9d: {  	s8 =	simm.s32 $0x0;
	s21 =	sshll.u32 s6, $0x1;
	s6 =	sadd.s32 s22, s4  }
0x9e: {  	[timem:s8], [sflag:s23] =	dma.local [hbm:s6], s21  }
0x9f: {  	_ =	swait.ge [sflag:s23], s21  }
0xa0: {  	s5 =	ssub.s32 $0x0, s21;
	[sflag:s23] =	ssyncset.done $0x0  }
0xa1: {  	[sflag:s23] =	ssyncadd.s32 s5;
	_ =	sdelay $0x1  }
0xa2: {  	s24 =	simm.s32 $0x1B8B  }
0xa3: {  	_ =	swait.ge [sflag:s24], $0x1  }
0xa4: {  	[sflag:s24] =	ssyncset.done $0x0  }
0xa5: {  	s25 =	simm.s32 $0x1B8E;
	[sflag:s24] =	ssyncadd.s32 $0xFFFFFFFF  }
0xa6: {  	s26 =	simm.s32 $execute0_lowered;
	[smem:$0x3FD2] =	sst s25  }
0xa7: {  	s5 =	sshll.u32 s26, $0x1;
	_ =	strace $0x80000046;
	[dreg:$0x1] =	wrdreg $0xFFFFFFFF  }
0xa8: {  	s28 =	simm.s32 $_size_execute0_lowered;
	s4 =	sadd.s32 s4, s5;
	[dreg:$0x0] =	wrdreg $0x0  }
0xa9: {  	s5 =	sshll.u32 s28, $0x1;
	[dreg:$0x2] =	wrdreg s4  }
0xaa: {  	[dreg:$0x3] =	wrdreg s5  }
0xab: {  	[dreg:$0x4] =	wrdreg $0xC0  }
0xac: {  	_ =	task [dreg:s8], $0x5FFFF  }
0xad: {  	[dreg:$0x1] =	wrdreg $0xFFFFFFFF  }
0xae: {  	[dreg:$0x0] =	wrdreg $0x60  }
0xaf: {  	[dreg:$0x2] =	wrdreg s2  }
0xb0: {  	[dreg:$0x3] =	wrdreg s19  }
0xb1: {  	[dreg:$0x4] =	wrdreg $0x51000  }
0xb2: {  	[dreg:$0x5] =	wrdreg $0x9  }
0xb3: {  	_ =	task.clear_ibuf [dreg:s8], $0x6FFFF;
	_ =	strace $0x90000046  }
0xb4: {  	s29 =	simm.s32 $0x9;
	_ =	strace $0x80000048  }
0xb5: {  	_ =	swait.ge [sflag:s29], $0x1  }
0xb6: {  	[sflag:s29] =	ssyncadd.s32 $0xFFFFFFFF  }
0xb7: {  	_ =	strace $0x90000048  }
0xb8: {  	_ =	sfence  }
0xb9: {  	s30 =	sld [smem:$0x0];
	_ =	sdelay $0x2  }
0xba: {  	s31 =	sshll.u32 s1, $0xD;
	s1 =	sshrl.u32 s1, $0x2  }
0xbb: {  	s3 =	sand.u32 $0x4000, s31;
	s1 =	sadd.s32 s1, s30  }
0xbc: {  	s0 =	sor.u32 s3, s0;
	s1 =	sshll.u32 s1, $0x11  }
0xbd: {  	s0 =	sor.u32 s1, s0  }
0xbe: {  	s0 =	sadd.s32 $0x8F2B, s0  }
0xbf: {  	[sflag:s0] =	ssyncadd.remote.s32 $0x1  }
0xc0: {  	_ =	sfence.sel $0xFFFF  }
0xc1: {  	[dreg:$0x0] =	wrdreg $0xFFFFFFFF;
	(pc) =	sbr.abs _section_cstart, $3  }
0xc2: {  	[dreg:$0x1] =	wrdreg $0xFFFFFFFF  }
0xc3: {  	_ =	task.clear_ibuf [dreg:s8], $0x2FFFF;
	_ =	strace $0x9FFFFFFF  }
0xc4: {  	(tm) =	ssettm $0x7FFFFFFF  }
0xc5: {  	_ =	shalt  }
tec
execute0_lowered:
.L_overlay_start_1:
0x0: {  	(tag) =	ssettag $0x1  }
0x1: {  	s4 =	rddreg [dreg:$0x0]  }
0x2: {  	s7 =	rddreg [dreg:$0x1];
	s1 =	srdreg.scid  }
0x3: {  	s0 =	stileid.u32;
	s2 =	rddreg [dreg:$0x2];
	s3 =	simm.s32 $0x0  }
0x4: {  	s12 =	simm.s32 $0x2;
	s6 =	sand.u32 $0x1, s1;
	s1 =	rddreg [dreg:$0x3]  }
0x5: {  	s14 =	simm.s32 $0x0;
	s5 =	sshll.u32 s0, $0x1;
	[smem:$0x7FF] =	sst s3  }
0x6: {  	s10 =	smul.u32 $0xA00, s0;
	p0 =	slt.u32 s0, $0x2;
	s5 =	sor.u32 s6, s5  }
0x7: {  	s9 =	ssub.s32 $0x2, s6;
	_ =	strace $0x80000047;
	s31 =	sshll.u32 s6, $0x4  }
0x8: {  	p1 =	sne.s32 @p0 s0, $0x0;
	s8 =	smul.u32 $0x4E, s5;
	s5 =	smin.u32 s5, $0x4  }
0x9: {  	s11 =	sshrl.u32 s9, $0x1;
	s30 =	sshrl.u32 s10, $0x2;
	s7 =	sadd.s32 s7, s31  }
0xa: {  	s10 =	simm.s32 $0x100;
	p1 =	por p1, !p0;
	s5 =	sadd.s32 s5, s8  }
0xb: {  	s29 =	ssub.s32 s9, s11;
	s9 =	simm.s32 $0x80;
	s5 =	sshll.u32 s5, $0x5  }
0xc: {  	s11 =	simm.s32 $0x4E80;
	s13 =	sshrl.u32 @!p1 s2, $0x3;
	s4 =	sadd.s32 s4, s5  }
0xd: {  	v0 =	vimm.f32 $1.000000000e+00;
	v1 =	vimm.f32 $0.0e+00;
	s8 =	smax.u32 s29, $0x1;
	s5 =	sadd.s32 s30, s2;
	s6 =	sadd.s32 $0x9C0, s4  }
.LBB2_1:
0xe: {  	[tilespmem:s3], [sflag:$0x1] =	stream.strided.gather [hbm4b:s4+s9], $0x2700, s10, s9, $0x38;
	[tilespmem:$0x5380] =	vst v63  }
0xf: {  	s15 =	simm.s32 $0x0;
	s16 =	simm.s32 $0x200  }
.LBB2_2:
0x10: {  	p2 =	sne.s32 s16, $0x9A00;
	[tilespmem:s15+$0x27F0] =	vst v0  }
0x11: {  	[tilespmem:s15+$0x2780] =	vst v0  }
0x12: {  	[tilespmem:s15+$0x2790] =	vst v0  }
.Ltmp0:
0x13: {  	[tilespmem:s15+$0x27A0] =	vst v0;
	(pc) =	sbr.rel @p2 .LBB2_2-.Ltmp0, $4  }
0x14: {  	[tilespmem:s15+$0x27B0] =	vst v0  }
0x15: {  	[tilespmem:s15+$0x27C0] =	vst v0  }
0x16: {  	[tilespmem:s15+$0x27D0] =	vst v0  }
0x17: {  	[tilespmem:s15+$0x27E0] =	vst v0;
	s15 =	sshra.s32 s16, $0x2;
	s16 =	sadd.s32 $0x200, s16  }
0x18: {  	[tilespmem:s15+$0x27F0] =	vst v0  }
0x19: {  	[tilespmem:s15+$0x2780] =	vst v0  }
0x1a: {  	[tilespmem:s15+$0x2790] =	vst v0  }
0x1b: {  	[tilespmem:s15+$0x27A0] =	vst v0  }
0x1c: {  	[tilespmem:s15+$0x27B0] =	vst v0  }
0x1d: {  	[tilespmem:s15+$0x27C0] =	vst v0  }
0x1e: {  	[tilespmem:s15+$0x27D0] =	vst v0  }
0x1f: {  	[tilespmem:s15+$0x27E0] =	vst v0  }
0x20: {  	[tilespmem:$0x4E80] =	vst v1  }
0x21: {  	[tilespmem:$0x4E90] =	vst v1  }
0x22: {  	[tilespmem:$0x4EA0] =	vst v1  }
0x23: {  	[tilespmem:$0x4EB0] =	vst v1  }
0x24: {  	[tilespmem:$0x4EC0] =	vst v1  }
0x25: {  	[tilespmem:$0x4ED0] =	vst v1  }
0x26: {  	[tilespmem:$0x4EE0] =	vst v1  }
0x27: {  	[tilespmem:$0x4EF0] =	vst v1  }
0x28: {  	[tilespmem:$0x4F00] =	vst v1  }
0x29: {  	[tilespmem:$0x4F10] =	vst v1  }
0x2a: {  	[tilespmem:$0x4F20] =	vst v1  }
0x2b: {  	[tilespmem:$0x4F30] =	vst v1  }
0x2c: {  	[tilespmem:$0x4F40] =	vst v1  }
0x2d: {  	[tilespmem:$0x4F50] =	vst v1  }
0x2e: {  	[tilespmem:$0x4F60] =	vst v1  }
0x2f: {  	[tilespmem:$0x4F70] =	vst v1  }
0x30: {  	[tilespmem:$0x4F80] =	vst v1  }
0x31: {  	[tilespmem:$0x4F90] =	vst v1  }
0x32: {  	[tilespmem:$0x4FA0] =	vst v1  }
0x33: {  	[tilespmem:$0x4FB0] =	vst v1  }
0x34: {  	[tilespmem:$0x4FC0] =	vst v1  }
0x35: {  	[tilespmem:$0x4FD0] =	vst v1  }
0x36: {  	[tilespmem:$0x4FE0] =	vst v1  }
0x37: {  	[tilespmem:$0x4FF0] =	vst v1  }
0x38: {  	[tilespmem:$0x5000] =	vst v1  }
0x39: {  	[tilespmem:$0x5010] =	vst v1  }
0x3a: {  	[tilespmem:$0x5020] =	vst v1  }
0x3b: {  	[tilespmem:$0x5030] =	vst v1  }
0x3c: {  	[tilespmem:$0x5040] =	vst v1  }
0x3d: {  	[tilespmem:$0x5050] =	vst v1  }
0x3e: {  	[tilespmem:$0x5060] =	vst v1  }
0x3f: {  	[tilespmem:$0x5070] =	vst v1  }
0x40: {  	[tilespmem:$0x5080] =	vst v1  }
0x41: {  	[tilespmem:$0x5090] =	vst v1  }
0x42: {  	[tilespmem:$0x50A0] =	vst v1  }
0x43: {  	[tilespmem:$0x50B0] =	vst v1  }
0x44: {  	[tilespmem:$0x50C0] =	vst v1  }
0x45: {  	[tilespmem:$0x50D0] =	vst v1  }
0x46: {  	[tilespmem:$0x50E0] =	vst v1  }
0x47: {  	[tilespmem:$0x50F0] =	vst v1  }
0x48: {  	[spmem:s5] =	stream.linear.scatter [tilespmem:s11], [sflag:$0x2], $0x280, $0x38;
	[tilespmem:$0x5380] =	vst v63  }
0x49: {  	_ =	swait.ge [sflag:s12], $0x280  }
0x4a: {  	s15 =	simm.s32 @p0 $0x0;
	[sflag:s12] =	ssyncset.done $0x0  }
0x4b: {  	s16 =	simm.s32 @p0 $0x2700;
	s17 =	simm.s32 @p0 $0x2;
	[sflag:s12] =	ssyncadd.s32 $0xFFFFFD80  }
0x4c: {  	[tilespmem:s16], [sflag:$0x2] =	stream.linear.gather @p0 [hbm4b:s6+s15], $0x80, $0x38;
	[tilespmem:$0x5380] =	vst v63  }
0x4d: {  	_ =	swait.ge @p0 [sflag:s17], $0x80  }
0x4e: {  	[sflag:s17] =	ssyncset.done @p0 $0x0  }
0x4f: {  	s18 =	simm.s32 @p0 $0x1;
	[sflag:s17] =	ssyncadd.s32 @p0 $0xFFFFFF80  }
0x50: {  	_ =	swait.ge @p0 [sflag:s18], $0x2700  }
0x51: {  	[sflag:s18] =	ssyncset.done @p0 $0x0  }
0x52: {  	[sflag:s18] =	ssyncadd.s32 @p0 $0xFFFFD900  }
0x53: {  	s18 =	simm.s32 @p0 $0x2780;
	[bflag:$0x0] =	sbarrier.arrive @p0 $0xFFFF  }
0x54: {  	[spmem:s2] =	stream.indirect.scatter.add.f32 @p0 [tilespmem:s18], [sflag:$0x2], $0x1, s15, s16, $0xb8;
	[tilespmem:$0x5380] =	vst v63  }
0x55: {  	_ =	swait.ge @p0 [sflag:s17], $0x2700  }
0x56: {  	[sflag:s17] =	ssyncset.done @p0 $0x0  }
0x57: {  	s15 =	simm.s32 @p0 $0x80;
	[sflag:s17] =	ssyncadd.s32 @p0 $0xFFFFD900  }
0x58: {  	[spmem:s2] =	stream.indirect.scatter.add.f32 @p0 [tilespmem:s18], [sflag:$0x2], $0x1, s16, s15, $0xb8;
	[tilespmem:$0x5380] =	vst v63  }
0x59: {  	_ =	swait.ge @p0 [sflag:s17], $0x80  }
0x5a: {  	[sflag:s17] =	ssyncset.done @p0 $0x0  }
0x5b: {  	s15 =	simm.s32 @!p1 $0x1;
	s16 =	simm.s32 @!p1 $0x20;
	[sflag:s17] =	ssyncadd.s32 @p0 $0xFFFFFF80  }
0x5c: {  	s18 =	simm.s32 @!p1 $0x1C02;
	s17 =	simm.s32 @!p1 $0x10;
	[bflag:$0x0] =	sbarrier.arrive @p0 $0xFFFF  }
0x5d: {  	[hbm:s7@s16], [sflag:s18] =	dma.strided @!p1 [spmem:s13@s17], $0x500, s15, $0x10   }
0x5e: {  	s15 =	simm.s32 @!p1 $0x2  }
0x5f: {  	_ =	swait.ge @!p1 [sflag:s15], $0x500  }
0x60: {  	[sflag:s15] =	ssyncset.done @!p1 $0x0  }
0x61: {  	[sflag:s15] =	ssyncadd.s32 @!p1 $0xFFFFFB00;
	s15 =	simm.s32 @!p0 $0x1  }
0x62: {  	_ =	swait.ge @!p0 [sflag:s15], $0x2700  }
0x63: {  	[sflag:s15] =	ssyncset.done @!p0 $0x0  }
0x64: {  	s14 =	sadd.s32 $0x1, s14;
	s16 =	simm.s32 @!p0 $0x0;
	[sflag:s15] =	ssyncadd.s32 @!p0 $0xFFFFD900  }
0x65: {  	s17 =	simm.s32 @!p0 $0x2780;
	s15 =	simm.s32 @!p0 $0x2700;
	[bflag:$0x0] =	sbarrier.arrive @!p0 $0xFFFF  }
0x66: {  	[spmem:s2] =	stream.indirect.scatter.add.f32 @!p0 [tilespmem:s17], [sflag:$0x2], $0x1, s16, s15, $0xb8;
	[tilespmem:$0x5380] =	vst v63  }
0x67: {  	p2 =	sne.s32 s14, s8;
	s15 =	simm.s32 @!p0 $0x2  }
.Ltmp1:
0x68: {  	_ =	swait.ge @!p0 [sflag:s15], $0x2700;
	(pc) =	sbr.rel @p2 .LBB2_1-.Ltmp1, $3  }
0x69: {  	[sflag:s15] =	ssyncset.done @!p0 $0x0  }
0x6a: {  	[sflag:s15] =	ssyncadd.s32 @!p0 $0xFFFFD900  }
0x6b: {  	[bflag:$0x0] =	sbarrier.arrive @!p0 $0xFFFF;
	_ =	sdelay $0x1  }
0x6c: {  	_ =	sfence.sel $0x180000  }
0x6d: {  	[bflag:$0x0] =	sbarrier.arrive $0xFFFF  }
0x6e: {  	p0 =	sne.s32 s0, $0x0;
	_ =	strace $0x90000047  }
0x6f: {  	s0 =	sadd.s32 @!p0 $0x100000, s1;
	[bflag:$0x2] =	sbarrier.arrive $0xFFFF  }
0x70: {  	[sflag:s0] =	ssyncadd.tile.s32 @!p0 $0x1;
	_ =	shalt  }
.Lfunc_end2:
_tile_overlayer_lowered:
.L_overlay_start_2:
0x71: {  	(tag) =	ssettag $0x2  }
0x72: {  	s0 =	rddreg [dreg:$0x0];
	s2 =	stileid.u32  }
0x73: {  	s1 =	rddreg [dreg:$0x1];
	p0 =	sne.s32 s2, $0x0  }
0x74: {  	s3 =	rddreg [dreg:$0x2];
	[bflag:$0x3] =	sbarrier.arrive $0xFFFF;
	s2 =	simm.s32 @!p0 $0x1C02  }
0x75: {  	[timem:s3], [sflag:s2] =	dma.local @!p0 [hbm:s0], s1  }
0x76: {  	s0 =	simm.s32 @!p0 $0x2  }
0x77: {  	_ =	swait.ge @!p0 [sflag:s0], s1  }
0x78: {  	s1 =	ssub.s32 @!p0 $0x0, s1;
	[sflag:s0] =	ssyncset.done @!p0 $0x0  }
0x79: {  	[sflag:s0] =	ssyncadd.s32 @!p0 s1  }
0x7a: {  	[bflag:$0x3] =	sbarrier.arrive $0xFFFF  }
0x7b: {  	_ =	shalt  }

</sc_bundles>
